<compile_context>
chip_gen: v7x
topology: tpu7x:2x2x1
jax: 0.10.2.dev20260603
libtpu: 0.0.44.dev20260713+nightly
codegen_flags: <defaults>
</compile_context>

<pallas_src>
import jax
import jax.numpy as jnp
from jax import lax
from jax.experimental import pallas as pl
from jax.experimental.pallas import tpu as pltpu
from jax.experimental.pallas import tpu_sc as plsc

NUM_CORES = 2
NUM_SUBCORES = 16
NUM_WORKERS = NUM_CORES * NUM_SUBCORES
LANES = 16
TC_BLOCK = 1024


def _tc_copy_body(x_ref, m_ref, o_ref, m32_ref):
    o_ref[...] = x_ref[...]
    m32_ref[...] = m_ref[...].astype(jnp.int32)


def _tc_copy(x2, mask):
    s, d = x2.shape
    nblk = s // TC_BLOCK
    return pl.pallas_call(
        _tc_copy_body,
        grid=(nblk,),
        in_specs=[
            pl.BlockSpec((TC_BLOCK, d), lambda i: (i, 0)),
            pl.BlockSpec((1, TC_BLOCK), lambda i: (0, i)),
        ],
        out_specs=[
            pl.BlockSpec((TC_BLOCK, d), lambda i: (i, 0)),
            pl.BlockSpec((1, TC_BLOCK), lambda i: (0, i)),
        ],
        out_shape=[
            jax.ShapeDtypeStruct((s, d), jnp.float32),
            jax.ShapeDtypeStruct((1, s), jnp.int32),
        ],
    )(x2, mask)


def _sc_body(out_hbm, a_hbm, m_hbm, mbuf, midx, grpbuf, sem_m, sem_g, sem_s):
    chunk = a_hbm.shape[0] // NUM_WORKERS
    wid = lax.axis_index("s") * NUM_CORES + lax.axis_index("c")
    base = wid * chunk

    mask_d = pltpu.async_copy(m_hbm.at[pl.ds(base, chunk)], mbuf, sem_m)

    mask_d.wait()
    iota = lax.broadcasted_iota(jnp.int32, (LANES,), 0)
    big = jnp.int32(2**31 - 1)

    cnt = jnp.int32(0)
    minv = jnp.full((LANES,), big, jnp.int32)
    for j in range(chunk // LANES):
        mv = mbuf[pl.ds(j * LANES, LANES)]
        msk = mv != 0
        idxv = iota + (base + j * LANES)
        pos = cnt + jnp.cumsum(jnp.where(msk, 1, 0)) - 1
        plsc.store_scatter(midx, [pos], idxv, mask=msk)
        minv = jnp.minimum(minv, jnp.where(msk, idxv, big))
        cnt = cnt + plsc.all_reduce_population_count(msk)[0]
    min_masked = jnp.min(minv)
    ngroups = (cnt + LANES - 1) // LANES

    def safe_idx(g):
        idxv = midx[pl.ds(g * LANES, LANES)]
        lane = iota + g * LANES
        return jnp.where(lane < cnt, idxv, min_masked)

    @pl.when(ngroups > 0)
    def _():
        def group(g, carry):
            sidx = safe_idx(g)
            pltpu.async_copy(a_hbm.at[sidx], grpbuf, sem_g).wait()
            pltpu.async_copy(grpbuf, out_hbm.at[sidx], sem_s).wait()
            return carry
        lax.fori_loop(0, ngroups, group, jnp.int32(0))


def _sc_overwrite(out_ref, a2, m32):
    s, d = a2.shape
    chunk = s // NUM_WORKERS
    mesh = plsc.VectorSubcoreMesh(
        core_axis_name="c", subcore_axis_name="s",
        num_cores=NUM_CORES, num_subcores=NUM_SUBCORES)
    pl.kernel(
        _sc_body,
        out_type=(),
        mesh=mesh,
        scratch_types=[
            pltpu.VMEM((chunk,), jnp.int32),
            pltpu.VMEM((chunk,), jnp.int32),
            pltpu.VMEM((LANES, d), jnp.float32),
            pltpu.SemaphoreType.DMA,
            pltpu.SemaphoreType.DMA,
            pltpu.SemaphoreType.DMA,
        ],
        compiler_params=pltpu.CompilerParams(needs_layout_passes=False),
    )(out_ref, a2, m32)


@jax.jit
def kernel(x, attack, attack_mask):
    b, s, d = x.shape
    x2 = x.reshape(s, d)
    a2 = attack.astype(x.dtype).reshape(s, d)
    out0, m32 = _tc_copy(x2, attack_mask.reshape(1, s))
    out_ref = jax.new_ref(out0)
    _sc_overwrite(out_ref, a2, m32.reshape(s))
    return out_ref[...].reshape(b, s, d)

# --- scband reference (transcript-rebuilt; emitter-appended) ---
"""Pipeline reference for scband-gdadversary-7438883356689 (READ-ONLY COPY).

The authoritative reference and input builder live on the scoring server;
editing this copy changes nothing except your own understanding.
"""

import jax, jax.numpy as jnp
import numpy as np


def setup_inputs(seed: int = 0) -> dict:
    key = jax.random.key(seed)
    k1, k2, k3, k4 = jax.random.split(key, 4)
    B, S, D = 1, 4096, 2048
    V = 32000
    # Activations entering the adversary hook
    x = jax.random.normal(k1, (B, S, D), dtype=jnp.float32)
    # Learned parameter: in torch __init__, attack is initialized as
    # embedding_space[randint(0, V, (1, S))] -> shape (1, S, D).
    # We emulate that init by gathering rows from a random embedding table.
    embedding_space = jax.random.normal(k2, (V, D), dtype=jnp.float32)
    random_indices = jax.random.randint(k3, (1, S), 0, V)
    attack = jnp.take(embedding_space, random_indices, axis=0)  # (1, S, D)
    # Boolean attack mask over token positions (e.g. adversarial suffix slots)
    attack_mask = jax.random.bernoulli(k4, 0.1, (B, S))
    return {"x": x, "attack": attack, "attack_mask": attack_mask}


def reference(x, attack, attack_mask):
    # GDAdversary.forward main path (x.shape[1] == attack_mask.shape[1]):
    #   perturbed_acts = attack[attack_mask][:, :S]].to(x.dtype)
    #   x[attack_mask] = perturbed_acts
    # i.e. a masked scatter-overwrite of activations at attacked positions.
    # In jax this is expressed as a positional overwrite where mask is True,
    # which is mathematically identical to the boolean-index scatter.
    perturbed = attack.astype(x.dtype)
    out = jnp.where(attack_mask[..., None], perturbed, x)
    return out

if __name__ == "__main__":
    import jax
    _d = setup_inputs()
    print(jax.jit(kernel)(*tuple(_d.values())))

</pallas_src>

<mosaic_0001>
#map = affine_map<(d0, d1) -> (0, 0)>
#map1 = affine_map<(d0, d1) -> (0)>
module attributes {stable_mosaic.version = 14 : i64} {
  func.func @new_body(%arg0: i32, %arg1: i32, %arg2: memref<4096x2048xf32, #tpu.memory_space<hbm>>, %arg3: memref<4096x2048xf32, #tpu.memory_space<hbm>>, %arg4: memref<4096xi32, #tpu.memory_space<hbm>>, %arg5: memref<4096x2048xf32, #tpu.memory_space<hbm>>, %arg6: memref<128xi32, #tpu.memory_space<vmem>>, %arg7: memref<128xi32, #tpu.memory_space<vmem>>, %arg8: memref<16x2048xf32, #tpu.memory_space<vmem>>, %arg9: memref<!tpu.dma_semaphore, #tpu.memory_space<semaphore_mem>>, %arg10: memref<!tpu.dma_semaphore, #tpu.memory_space<semaphore_mem>>, %arg11: memref<!tpu.dma_semaphore, #tpu.memory_space<semaphore_mem>>) attributes {dimension_semantics = [#tpu.dimension_semantics<core_parallel>, #tpu.dimension_semantics<subcore_parallel>], iteration_bounds = array<i64: 2, 16>, scalar_prefetch = 0 : i64, scratch_operands = 6 : i64, tpu.core_type = #tpu.core_type<sc_vector_subcore>, window_params = [{transform_indices = #map}, {transform_indices = #map}, {transform_indices = #map1}, {transform_indices = #map}]} {
    %mul3A = arith.constant 2 : i32
    %mul3A_0 = arith.muli %arg1, %mul3A : i32
    %add3A = arith.addi %mul3A_0, %arg0 : i32
    %mul3A_1 = arith.constant 128 : i32
    %mul3A_2 = arith.muli %add3A, %mul3A_1 : i32
    %dma_start3A = tpu.memref_slice %arg4[%mul3A_2] : memref<4096xi32, #tpu.memory_space<hbm>> -> memref<128xi32, #tpu.memory_space<hbm>>
    %dma_start3A_3 = tpu.memref_slice %arg4[%mul3A_2] : memref<4096xi32, #tpu.memory_space<hbm>> -> memref<128xi32, #tpu.memory_space<hbm>>
    tpu.enqueue_dma source(%dma_start3A_3 : memref<128xi32, #tpu.memory_space<hbm>>) target(%arg6 : memref<128xi32, #tpu.memory_space<vmem>>) target_semaphore(%arg9 : memref<!tpu.dma_semaphore, #tpu.memory_space<semaphore_mem>>)
    %dma_wait3A = tpu.memref_slice %arg4[%mul3A_2] : memref<4096xi32, #tpu.memory_space<hbm>> -> memref<128xi32, #tpu.memory_space<hbm>>
    %dma_wait3A_4 = tpu.memref_slice %arg4[%mul3A_2] : memref<4096xi32, #tpu.memory_space<hbm>> -> memref<128xi32, #tpu.memory_space<hbm>>
    tpu.wait_dma2 semaphore(%arg9 : memref<!tpu.dma_semaphore, #tpu.memory_space<semaphore_mem>>) src(%dma_wait3A_4 : memref<128xi32, #tpu.memory_space<hbm>>) dst(%arg6 : memref<128xi32, #tpu.memory_space<vmem>>)
    %iota3A = tpu.iota {dimensions = array<i32: 0>} : vector<16xi32>
    %broadcast_in_dim3A = arith.constant 2147483647 : i32
    %broadcast_in_dim3A_5 = vector.broadcast %broadcast_in_dim3A : i32 to vector<16xi32>
    %get3A = arith.constant 0 : index
    %get3A_6 = tpu.vector_load %arg6[%get3A] {strides = array<i32>} : memref<128xi32, #tpu.memory_space<vmem>>, vector<16xi32>,
    %ne3A = arith.constant 0 : i32
    %ne3A_7 = vector.broadcast %ne3A : i32 to vector<16xi32>
    %ne3A_8 = arith.cmpi ne, %get3A_6, %ne3A_7 : vector<16xi32>
    %add3A_9 = arith.constant 0 : i32
    %add3A_10 = arith.addi %mul3A_2, %add3A_9 : i32
    %add3A_11 = vector.broadcast %add3A_10 : i32 to vector<16xi32>
    %add3A_12 = arith.addi %iota3A, %add3A_11 : vector<16xi32>
    %jit3A = arith.constant 1 : i32
    %jit3A_13 = arith.constant 0 : i32
    %broadcast_in_dim3A_14 = vector.broadcast %jit3A : i32 to vector<16xi32>
    %broadcast_in_dim3A_15 = vector.broadcast %jit3A_13 : i32 to vector<16xi32>
    %select_n3A = arith.select %ne3A_8, %broadcast_in_dim3A_14, %broadcast_in_dim3A_15 : vector<16xi1>, vector<16xi32>
    %cumsum3A = arith.constant true
    %cumsum3A_16 = vector.broadcast %cumsum3A : i1 to vector<16xi1>
    %cumsum3A_17 = tpu.scan <sum>, %select_n3A masked %cumsum3A_16 : vector<16xi32>, vector<16xi1> -> vector<16xi32>
    %add3A_18 = arith.constant 0 : i32
    %add3A_19 = vector.broadcast %add3A_18 : i32 to vector<16xi32>
    %add3A_20 = arith.addi %add3A_19, %cumsum3A_17 : vector<16xi32>
    %sub3A = arith.constant 1 : i32
    %sub3A_21 = vector.broadcast %sub3A : i32 to vector<16xi32>
    %sub3A_22 = arith.subi %add3A_20, %sub3A_21 : vector<16xi32>
    tpu.vector_store_idx %arg7[%sub3A_22], %add3A_12 masked %ne3A_8 : memref<128xi32, #tpu.memory_space<vmem>>[vector<16xi32>], vector<16xi32>, vector<16xi1>
    %jit3A_23 = arith.constant 2147483647 : i32
    %broadcast_in_dim3A_24 = vector.broadcast %jit3A_23 : i32 to vector<16xi32>
    %select_n3A_25 = arith.select %ne3A_8, %add3A_12, %broadcast_in_dim3A_24 : vector<16xi1>, vector<16xi32>
    %min3A = arith.minsi %broadcast_in_dim3A_5, %select_n3A_25 : vector<16xi32>
    %all_reduce_population_count3A = tpu.all_reduce %ne3A_8 {dim = 0 : i64, kind = #tpu.reduction_kind<sum>} : vector<16xi1> -> vector<16xi32>
    %slice3A = vector.extract_strided_slice %all_reduce_population_count3A {offsets = [0], sizes = [1], strides = [1]} : vector<16xi32> to vector<1xi32>
    %squeeze3A = vector.extract %slice3A[0] : i32 from vector<1xi32>
    %add3A_26 = arith.constant 0 : i32
    %add3A_27 = arith.addi %add3A_26, %squeeze3A : i32
    %get3A_28 = arith.constant 16 : index
    %get3A_29 = tpu.vector_load %arg6[%get3A_28] {strides = array<i32>} : memref<128xi32, #tpu.memory_space<vmem>>, vector<16xi32>,
    %ne3A_30 = arith.constant 0 : i32
    %ne3A_31 = vector.broadcast %ne3A_30 : i32 to vector<16xi32>
    %ne3A_32 = arith.cmpi ne, %get3A_29, %ne3A_31 : vector<16xi32>
    %add3A_33 = arith.constant 16 : i32
    %add3A_34 = arith.addi %mul3A_2, %add3A_33 : i32
    %add3A_35 = vector.broadcast %add3A_34 : i32 to vector<16xi32>
    %add3A_36 = arith.addi %iota3A, %add3A_35 : vector<16xi32>
    %jit3A_37 = arith.constant 1 : i32
    %jit3A_38 = arith.constant 0 : i32
    %broadcast_in_dim3A_39 = vector.broadcast %jit3A_37 : i32 to vector<16xi32>
    %broadcast_in_dim3A_40 = vector.broadcast %jit3A_38 : i32 to vector<16xi32>
    %select_n3A_41 = arith.select %ne3A_32, %broadcast_in_dim3A_39, %broadcast_in_dim3A_40 : vector<16xi1>, vector<16xi32>
    %cumsum3A_42 = arith.constant true
    %cumsum3A_43 = vector.broadcast %cumsum3A_42 : i1 to vector<16xi1>
    %cumsum3A_44 = tpu.scan <sum>, %select_n3A_41 masked %cumsum3A_43 : vector<16xi32>, vector<16xi1> -> vector<16xi32>
    %add3A_45 = vector.broadcast %add3A_27 : i32 to vector<16xi32>
    %add3A_46 = arith.addi %add3A_45, %cumsum3A_44 : vector<16xi32>
    %sub3A_47 = arith.constant 1 : i32
    %sub3A_48 = vector.broadcast %sub3A_47 : i32 to vector<16xi32>
    %sub3A_49 = arith.subi %add3A_46, %sub3A_48 : vector<16xi32>
    tpu.vector_store_idx %arg7[%sub3A_49], %add3A_36 masked %ne3A_32 : memref<128xi32, #tpu.memory_space<vmem>>[vector<16xi32>], vector<16xi32>, vector<16xi1>
    %jit3A_50 = arith.constant 2147483647 : i32
    %broadcast_in_dim3A_51 = vector.broadcast %jit3A_50 : i32 to vector<16xi32>
    %select_n3A_52 = arith.select %ne3A_32, %add3A_36, %broadcast_in_dim3A_51 : vector<16xi1>, vector<16xi32>
    %min3A_53 = arith.minsi %min3A, %select_n3A_52 : vector<16xi32>
    %all_reduce_population_count3A_54 = tpu.all_reduce %ne3A_32 {dim = 0 : i64, kind = #tpu.reduction_kind<sum>} : vector<16xi1> -> vector<16xi32>
    %slice3A_55 = vector.extract_strided_slice %all_reduce_population_count3A_54 {offsets = [0], sizes = [1], strides = [1]} : vector<16xi32> to vector<1xi32>
    %squeeze3A_56 = vector.extract %slice3A_55[0] : i32 from vector<1xi32>
    %add3A_57 = arith.addi %add3A_27, %squeeze3A_56 : i32
    %get3A_58 = arith.constant 32 : index
    %get3A_59 = tpu.vector_load %arg6[%get3A_58] {strides = array<i32>} : memref<128xi32, #tpu.memory_space<vmem>>, vector<16xi32>,
    %ne3A_60 = arith.constant 0 : i32
    %ne3A_61 = vector.broadcast %ne3A_60 : i32 to vector<16xi32>
    %ne3A_62 = arith.cmpi ne, %get3A_59, %ne3A_61 : vector<16xi32>
    %add3A_63 = arith.constant 32 : i32
    %add3A_64 = arith.addi %mul3A_2, %add3A_63 : i32
    %add3A_65 = vector.broadcast %add3A_64 : i32 to vector<16xi32>
    %add3A_66 = arith.addi %iota3A, %add3A_65 : vector<16xi32>
    %jit3A_67 = arith.constant 1 : i32
    %jit3A_68 = arith.constant 0 : i32
    %broadcast_in_dim3A_69 = vector.broadcast %jit3A_67 : i32 to vector<16xi32>
    %broadcast_in_dim3A_70 = vector.broadcast %jit3A_68 : i32 to vector<16xi32>
    %select_n3A_71 = arith.select %ne3A_62, %broadcast_in_dim3A_69, %broadcast_in_dim3A_70 : vector<16xi1>, vector<16xi32>
    %cumsum3A_72 = arith.constant true
    %cumsum3A_73 = vector.broadcast %cumsum3A_72 : i1 to vector<16xi1>
    %cumsum3A_74 = tpu.scan <sum>, %select_n3A_71 masked %cumsum3A_73 : vector<16xi32>, vector<16xi1> -> vector<16xi32>
    %add3A_75 = vector.broadcast %add3A_57 : i32 to vector<16xi32>
    %add3A_76 = arith.addi %add3A_75, %cumsum3A_74 : vector<16xi32>
    %sub3A_77 = arith.constant 1 : i32
    %sub3A_78 = vector.broadcast %sub3A_77 : i32 to vector<16xi32>
    %sub3A_79 = arith.subi %add3A_76, %sub3A_78 : vector<16xi32>
    tpu.vector_store_idx %arg7[%sub3A_79], %add3A_66 masked %ne3A_62 : memref<128xi32, #tpu.memory_space<vmem>>[vector<16xi32>], vector<16xi32>, vector<16xi1>
    %jit3A_80 = arith.constant 2147483647 : i32
    %broadcast_in_dim3A_81 = vector.broadcast %jit3A_80 : i32 to vector<16xi32>
    %select_n3A_82 = arith.select %ne3A_62, %add3A_66, %broadcast_in_dim3A_81 : vector<16xi1>, vector<16xi32>
    %min3A_83 = arith.minsi %min3A_53, %select_n3A_82 : vector<16xi32>
    %all_reduce_population_count3A_84 = tpu.all_reduce %ne3A_62 {dim = 0 : i64, kind = #tpu.reduction_kind<sum>} : vector<16xi1> -> vector<16xi32>
    %slice3A_85 = vector.extract_strided_slice %all_reduce_population_count3A_84 {offsets = [0], sizes = [1], strides = [1]} : vector<16xi32> to vector<1xi32>
    %squeeze3A_86 = vector.extract %slice3A_85[0] : i32 from vector<1xi32>
    %add3A_87 = arith.addi %add3A_57, %squeeze3A_86 : i32
    %get3A_88 = arith.constant 48 : index
    %get3A_89 = tpu.vector_load %arg6[%get3A_88] {strides = array<i32>} : memref<128xi32, #tpu.memory_space<vmem>>, vector<16xi32>,
    %ne3A_90 = arith.constant 0 : i32
    %ne3A_91 = vector.broadcast %ne3A_90 : i32 to vector<16xi32>
    %ne3A_92 = arith.cmpi ne, %get3A_89, %ne3A_91 : vector<16xi32>
    %add3A_93 = arith.constant 48 : i32
    %add3A_94 = arith.addi %mul3A_2, %add3A_93 : i32
    %add3A_95 = vector.broadcast %add3A_94 : i32 to vector<16xi32>
    %add3A_96 = arith.addi %iota3A, %add3A_95 : vector<16xi32>
    %jit3A_97 = arith.constant 1 : i32
    %jit3A_98 = arith.constant 0 : i32
    %broadcast_in_dim3A_99 = vector.broadcast %jit3A_97 : i32 to vector<16xi32>
    %broadcast_in_dim3A_100 = vector.broadcast %jit3A_98 : i32 to vector<16xi32>
    %select_n3A_101 = arith.select %ne3A_92, %broadcast_in_dim3A_99, %broadcast_in_dim3A_100 : vector<16xi1>, vector<16xi32>
    %cumsum3A_102 = arith.constant true
    %cumsum3A_103 = vector.broadcast %cumsum3A_102 : i1 to vector<16xi1>
    %cumsum3A_104 = tpu.scan <sum>, %select_n3A_101 masked %cumsum3A_103 : vector<16xi32>, vector<16xi1> -> vector<16xi32>
    %add3A_105 = vector.broadcast %add3A_87 : i32 to vector<16xi32>
    %add3A_106 = arith.addi %add3A_105, %cumsum3A_104 : vector<16xi32>
    %sub3A_107 = arith.constant 1 : i32
    %sub3A_108 = vector.broadcast %sub3A_107 : i32 to vector<16xi32>
    %sub3A_109 = arith.subi %add3A_106, %sub3A_108 : vector<16xi32>
    tpu.vector_store_idx %arg7[%sub3A_109], %add3A_96 masked %ne3A_92 : memref<128xi32, #tpu.memory_space<vmem>>[vector<16xi32>], vector<16xi32>, vector<16xi1>
    %jit3A_110 = arith.constant 2147483647 : i32
    %broadcast_in_dim3A_111 = vector.broadcast %jit3A_110 : i32 to vector<16xi32>
    %select_n3A_112 = arith.select %ne3A_92, %add3A_96, %broadcast_in_dim3A_111 : vector<16xi1>, vector<16xi32>
    %min3A_113 = arith.minsi %min3A_83, %select_n3A_112 : vector<16xi32>
    %all_reduce_population_count3A_114 = tpu.all_reduce %ne3A_92 {dim = 0 : i64, kind = #tpu.reduction_kind<sum>} : vector<16xi1> -> vector<16xi32>
    %slice3A_115 = vector.extract_strided_slice %all_reduce_population_count3A_114 {offsets = [0], sizes = [1], strides = [1]} : vector<16xi32> to vector<1xi32>
    %squeeze3A_116 = vector.extract %slice3A_115[0] : i32 from vector<1xi32>
    %add3A_117 = arith.addi %add3A_87, %squeeze3A_116 : i32
    %get3A_118 = arith.constant 64 : index
    %get3A_119 = tpu.vector_load %arg6[%get3A_118] {strides = array<i32>} : memref<128xi32, #tpu.memory_space<vmem>>, vector<16xi32>,
    %ne3A_120 = arith.constant 0 : i32
    %ne3A_121 = vector.broadcast %ne3A_120 : i32 to vector<16xi32>
    %ne3A_122 = arith.cmpi ne, %get3A_119, %ne3A_121 : vector<16xi32>
    %add3A_123 = arith.constant 64 : i32
    %add3A_124 = arith.addi %mul3A_2, %add3A_123 : i32
    %add3A_125 = vector.broadcast %add3A_124 : i32 to vector<16xi32>
    %add3A_126 = arith.addi %iota3A, %add3A_125 : vector<16xi32>
    %jit3A_127 = arith.constant 1 : i32
    %jit3A_128 = arith.constant 0 : i32
    %broadcast_in_dim3A_129 = vector.broadcast %jit3A_127 : i32 to vector<16xi32>
    %broadcast_in_dim3A_130 = vector.broadcast %jit3A_128 : i32 to vector<16xi32>
    %select_n3A_131 = arith.select %ne3A_122, %broadcast_in_dim3A_129, %broadcast_in_dim3A_130 : vector<16xi1>, vector<16xi32>
    %cumsum3A_132 = arith.constant true
    %cumsum3A_133 = vector.broadcast %cumsum3A_132 : i1 to vector<16xi1>
    %cumsum3A_134 = tpu.scan <sum>, %select_n3A_131 masked %cumsum3A_133 : vector<16xi32>, vector<16xi1> -> vector<16xi32>
    %add3A_135 = vector.broadcast %add3A_117 : i32 to vector<16xi32>
    %add3A_136 = arith.addi %add3A_135, %cumsum3A_134 : vector<16xi32>
    %sub3A_137 = arith.constant 1 : i32
    %sub3A_138 = vector.broadcast %sub3A_137 : i32 to vector<16xi32>
    %sub3A_139 = arith.subi %add3A_136, %sub3A_138 : vector<16xi32>
    tpu.vector_store_idx %arg7[%sub3A_139], %add3A_126 masked %ne3A_122 : memref<128xi32, #tpu.memory_space<vmem>>[vector<16xi32>], vector<16xi32>, vector<16xi1>
    %jit3A_140 = arith.constant 2147483647 : i32
    %broadcast_in_dim3A_141 = vector.broadcast %jit3A_140 : i32 to vector<16xi32>
    %select_n3A_142 = arith.select %ne3A_122, %add3A_126, %broadcast_in_dim3A_141 : vector<16xi1>, vector<16xi32>
    %min3A_143 = arith.minsi %min3A_113, %select_n3A_142 : vector<16xi32>
    %all_reduce_population_count3A_144 = tpu.all_reduce %ne3A_122 {dim = 0 : i64, kind = #tpu.reduction_kind<sum>} : vector<16xi1> -> vector<16xi32>
    %slice3A_145 = vector.extract_strided_slice %all_reduce_population_count3A_144 {offsets = [0], sizes = [1], strides = [1]} : vector<16xi32> to vector<1xi32>
    %squeeze3A_146 = vector.extract %slice3A_145[0] : i32 from vector<1xi32>
    %add3A_147 = arith.addi %add3A_117, %squeeze3A_146 : i32
    %get3A_148 = arith.constant 80 : index
    %get3A_149 = tpu.vector_load %arg6[%get3A_148] {strides = array<i32>} : memref<128xi32, #tpu.memory_space<vmem>>, vector<16xi32>,
    %ne3A_150 = arith.constant 0 : i32
    %ne3A_151 = vector.broadcast %ne3A_150 : i32 to vector<16xi32>
    %ne3A_152 = arith.cmpi ne, %get3A_149, %ne3A_151 : vector<16xi32>
    %add3A_153 = arith.constant 80 : i32
    %add3A_154 = arith.addi %mul3A_2, %add3A_153 : i32
    %add3A_155 = vector.broadcast %add3A_154 : i32 to vector<16xi32>
    %add3A_156 = arith.addi %iota3A, %add3A_155 : vector<16xi32>
    %jit3A_157 = arith.constant 1 : i32
    %jit3A_158 = arith.constant 0 : i32
    %broadcast_in_dim3A_159 = vector.broadcast %jit3A_157 : i32 to vector<16xi32>
    %broadcast_in_dim3A_160 = vector.broadcast %jit3A_158 : i32 to vector<16xi32>
    %select_n3A_161 = arith.select %ne3A_152, %broadcast_in_dim3A_159, %broadcast_in_dim3A_160 : vector<16xi1>, vector<16xi32>
    %cumsum3A_162 = arith.constant true
    %cumsum3A_163 = vector.broadcast %cumsum3A_162 : i1 to vector<16xi1>
    %cumsum3A_164 = tpu.scan <sum>, %select_n3A_161 masked %cumsum3A_163 : vector<16xi32>, vector<16xi1> -> vector<16xi32>
    %add3A_165 = vector.broadcast %add3A_147 : i32 to vector<16xi32>
    %add3A_166 = arith.addi %add3A_165, %cumsum3A_164 : vector<16xi32>
    %sub3A_167 = arith.constant 1 : i32
    %sub3A_168 = vector.broadcast %sub3A_167 : i32 to vector<16xi32>
    %sub3A_169 = arith.subi %add3A_166, %sub3A_168 : vector<16xi32>
    tpu.vector_store_idx %arg7[%sub3A_169], %add3A_156 masked %ne3A_152 : memref<128xi32, #tpu.memory_space<vmem>>[vector<16xi32>], vector<16xi32>, vector<16xi1>
    %jit3A_170 = arith.constant 2147483647 : i32
    %broadcast_in_dim3A_171 = vector.broadcast %jit3A_170 : i32 to vector<16xi32>
    %select_n3A_172 = arith.select %ne3A_152, %add3A_156, %broadcast_in_dim3A_171 : vector<16xi1>, vector<16xi32>
    %min3A_173 = arith.minsi %min3A_143, %select_n3A_172 : vector<16xi32>
    %all_reduce_population_count3A_174 = tpu.all_reduce %ne3A_152 {dim = 0 : i64, kind = #tpu.reduction_kind<sum>} : vector<16xi1> -> vector<16xi32>
    %slice3A_175 = vector.extract_strided_slice %all_reduce_population_count3A_174 {offsets = [0], sizes = [1], strides = [1]} : vector<16xi32> to vector<1xi32>
    %squeeze3A_176 = vector.extract %slice3A_175[0] : i32 from vector<1xi32>
    %add3A_177 = arith.addi %add3A_147, %squeeze3A_176 : i32
    %get3A_178 = arith.constant 96 : index
    %get3A_179 = tpu.vector_load %arg6[%get3A_178] {strides = array<i32>} : memref<128xi32, #tpu.memory_space<vmem>>, vector<16xi32>,
    %ne3A_180 = arith.constant 0 : i32
    %ne3A_181 = vector.broadcast %ne3A_180 : i32 to vector<16xi32>
    %ne3A_182 = arith.cmpi ne, %get3A_179, %ne3A_181 : vector<16xi32>
    %add3A_183 = arith.constant 96 : i32
    %add3A_184 = arith.addi %mul3A_2, %add3A_183 : i32
    %add3A_185 = vector.broadcast %add3A_184 : i32 to vector<16xi32>
    %add3A_186 = arith.addi %iota3A, %add3A_185 : vector<16xi32>
    %jit3A_187 = arith.constant 1 : i32
    %jit3A_188 = arith.constant 0 : i32
    %broadcast_in_dim3A_189 = vector.broadcast %jit3A_187 : i32 to vector<16xi32>
    %broadcast_in_dim3A_190 = vector.broadcast %jit3A_188 : i32 to vector<16xi32>
    %select_n3A_191 = arith.select %ne3A_182, %broadcast_in_dim3A_189, %broadcast_in_dim3A_190 : vector<16xi1>, vector<16xi32>
    %cumsum3A_192 = arith.constant true
    %cumsum3A_193 = vector.broadcast %cumsum3A_192 : i1 to vector<16xi1>
    %cumsum3A_194 = tpu.scan <sum>, %select_n3A_191 masked %cumsum3A_193 : vector<16xi32>, vector<16xi1> -> vector<16xi32>
    %add3A_195 = vector.broadcast %add3A_177 : i32 to vector<16xi32>
    %add3A_196 = arith.addi %add3A_195, %cumsum3A_194 : vector<16xi32>
    %sub3A_197 = arith.constant 1 : i32
    %sub3A_198 = vector.broadcast %sub3A_197 : i32 to vector<16xi32>
    %sub3A_199 = arith.subi %add3A_196, %sub3A_198 : vector<16xi32>
    tpu.vector_store_idx %arg7[%sub3A_199], %add3A_186 masked %ne3A_182 : memref<128xi32, #tpu.memory_space<vmem>>[vector<16xi32>], vector<16xi32>, vector<16xi1>
    %jit3A_200 = arith.constant 2147483647 : i32
    %broadcast_in_dim3A_201 = vector.broadcast %jit3A_200 : i32 to vector<16xi32>
    %select_n3A_202 = arith.select %ne3A_182, %add3A_186, %broadcast_in_dim3A_201 : vector<16xi1>, vector<16xi32>
    %min3A_203 = arith.minsi %min3A_173, %select_n3A_202 : vector<16xi32>
    %all_reduce_population_count3A_204 = tpu.all_reduce %ne3A_182 {dim = 0 : i64, kind = #tpu.reduction_kind<sum>} : vector<16xi1> -> vector<16xi32>
    %slice3A_205 = vector.extract_strided_slice %all_reduce_population_count3A_204 {offsets = [0], sizes = [1], strides = [1]} : vector<16xi32> to vector<1xi32>
    %squeeze3A_206 = vector.extract %slice3A_205[0] : i32 from vector<1xi32>
    %add3A_207 = arith.addi %add3A_177, %squeeze3A_206 : i32
    %get3A_208 = arith.constant 112 : index
    %get3A_209 = tpu.vector_load %arg6[%get3A_208] {strides = array<i32>} : memref<128xi32, #tpu.memory_space<vmem>>, vector<16xi32>,
    %ne3A_210 = arith.constant 0 : i32
    %ne3A_211 = vector.broadcast %ne3A_210 : i32 to vector<16xi32>
    %ne3A_212 = arith.cmpi ne, %get3A_209, %ne3A_211 : vector<16xi32>
    %add3A_213 = arith.constant 112 : i32
    %add3A_214 = arith.addi %mul3A_2, %add3A_213 : i32
    %add3A_215 = vector.broadcast %add3A_214 : i32 to vector<16xi32>
    %add3A_216 = arith.addi %iota3A, %add3A_215 : vector<16xi32>
    %jit3A_217 = arith.constant 1 : i32
    %jit3A_218 = arith.constant 0 : i32
    %broadcast_in_dim3A_219 = vector.broadcast %jit3A_217 : i32 to vector<16xi32>
    %broadcast_in_dim3A_220 = vector.broadcast %jit3A_218 : i32 to vector<16xi32>
    %select_n3A_221 = arith.select %ne3A_212, %broadcast_in_dim3A_219, %broadcast_in_dim3A_220 : vector<16xi1>, vector<16xi32>
    %cumsum3A_222 = arith.constant true
    %cumsum3A_223 = vector.broadcast %cumsum3A_222 : i1 to vector<16xi1>
    %cumsum3A_224 = tpu.scan <sum>, %select_n3A_221 masked %cumsum3A_223 : vector<16xi32>, vector<16xi1> -> vector<16xi32>
    %add3A_225 = vector.broadcast %add3A_207 : i32 to vector<16xi32>
    %add3A_226 = arith.addi %add3A_225, %cumsum3A_224 : vector<16xi32>
    %sub3A_227 = arith.constant 1 : i32
    %sub3A_228 = vector.broadcast %sub3A_227 : i32 to vector<16xi32>
    %sub3A_229 = arith.subi %add3A_226, %sub3A_228 : vector<16xi32>
    tpu.vector_store_idx %arg7[%sub3A_229], %add3A_216 masked %ne3A_212 : memref<128xi32, #tpu.memory_space<vmem>>[vector<16xi32>], vector<16xi32>, vector<16xi1>
    %jit3A_230 = arith.constant 2147483647 : i32
    %broadcast_in_dim3A_231 = vector.broadcast %jit3A_230 : i32 to vector<16xi32>
    %select_n3A_232 = arith.select %ne3A_212, %add3A_216, %broadcast_in_dim3A_231 : vector<16xi1>, vector<16xi32>
    %min3A_233 = arith.minsi %min3A_203, %select_n3A_232 : vector<16xi32>
    %all_reduce_population_count3A_234 = tpu.all_reduce %ne3A_212 {dim = 0 : i64, kind = #tpu.reduction_kind<sum>} : vector<16xi1> -> vector<16xi32>
    %slice3A_235 = vector.extract_strided_slice %all_reduce_population_count3A_234 {offsets = [0], sizes = [1], strides = [1]} : vector<16xi32> to vector<1xi32>
    %squeeze3A_236 = vector.extract %slice3A_235[0] : i32 from vector<1xi32>
    %add3A_237 = arith.addi %add3A_207, %squeeze3A_236 : i32
    %reduce_min3A = arith.constant true
    %reduce_min3A_238 = vector.broadcast %reduce_min3A : i1 to vector<16xi1>
    %reduce_min3A_239 = arith.constant -2147483648 : i32
    %reduce_min3A_240 = vector.broadcast %reduce_min3A_239 : i32 to vector<16xi32>
    %reduce_min3A_241 = arith.xori %min3A_233, %reduce_min3A_240 : vector<16xi32>
    %reduce_min3A_242 = tpu.scan <min>, %reduce_min3A_241 masked %reduce_min3A_238 : vector<16xi32>, vector<16xi1> -> vector<16xi32>
    %reduce_min3A_243 = arith.xori %reduce_min3A_242, %reduce_min3A_240 : vector<16xi32>
    %reduce_min3A_244 = vector.extract %reduce_min3A_243[15] : i32 from vector<16xi32>
    %add3A_245 = arith.constant 16 : i32
    %add3A_246 = arith.addi %add3A_237, %add3A_245 : i32
    %sub3A_247 = arith.constant 1 : i32
    %sub3A_248 = arith.subi %add3A_246, %sub3A_247 : i32
    %jit3A_249 = arith.constant 16 : i32
    %div3A = arith.divsi %sub3A_248, %jit3A_249 : i32
    %sign3A = arith.constant 0 : i32
    %sign3A_250 = arith.cmpi sgt, %sub3A_248, %sign3A : i32
    %sign3A_251 = arith.extui %sign3A_250 : i1 to i32
    %sign3A_252 = arith.constant 0 : i32
    %sign3A_253 = arith.cmpi slt, %sub3A_248, %sign3A_252 : i32
    %sign3A_254 = arith.extui %sign3A_253 : i1 to i32
    %sign3A_255 = arith.subi %sign3A_251, %sign3A_254 : i32
    %sign3A_256 = arith.constant 0 : i32
    %sign3A_257 = arith.cmpi sgt, %jit3A_249, %sign3A_256 : i32
    %sign3A_258 = arith.extui %sign3A_257 : i1 to i32
    %sign3A_259 = arith.constant 0 : i32
    %sign3A_260 = arith.cmpi slt, %jit3A_249, %sign3A_259 : i32
    %sign3A_261 = arith.extui %sign3A_260 : i1 to i32
    %sign3A_262 = arith.subi %sign3A_258, %sign3A_261 : i32
    %ne3A_263 = arith.cmpi ne, %sign3A_255, %sign3A_262 : i32
    %rem3A = arith.remsi %sub3A_248, %jit3A_249 : i32
    %ne3A_264 = arith.constant 0 : i32
    %ne3A_265 = arith.cmpi ne, %rem3A, %ne3A_264 : i32
    %and3A = arith.andi %ne3A_263, %ne3A_265 : i1
    %sub3A_266 = arith.constant 1 : i32
    %sub3A_267 = arith.subi %div3A, %sub3A_266 : i32
    %select_n3A_268 = arith.select %and3A, %sub3A_267, %div3A : i32
    %gt3A = arith.constant 0 : i32
    %gt3A_269 = arith.cmpi sgt, %select_n3A_268, %gt3A : i32
    %convert_element_type3A = arith.extui %gt3A_269 : i1 to i32
    %cond3A = arith.constant 0 : i32
    %cond3A_270 = arith.cmpi ne, %convert_element_type3A, %cond3A : i32
    scf.if %cond3A_270 {
      %while3A = arith.constant 0 : i32
      %while3A_271 = arith.constant 0 : i32
      %while3A_272 = arith.subi %select_n3A_268, %while3A_271 : i32
      %while3A_273 = arith.addi %while3A_271, %while3A_272 : i32
      %while3A_274 = arith.constant 1 : i32
      %while3A_275 = arith.divsi %while3A_272, %while3A_274 : i32
      %while3A_276 = arith.muli %while3A_275, %while3A_274 : i32
      %while3A_277 = arith.addi %while3A_271, %while3A_276 : i32
      %while3A_278 = arith.constant 1 : i32
      scf.for %while3A_280 = %while3A_271 to %while3A_277 step %while3A_278  : i32 {
        %mul3A_281 = arith.constant 16 : i32
        %mul3A_282 = arith.muli %while3A_280, %mul3A_281 : i32
        %get3A_283 = arith.index_cast %mul3A_282 : i32 to index
        %get3A_284 = tpu.vector_load %arg7[%get3A_283] {strides = array<i32>} : memref<128xi32, #tpu.memory_space<vmem>>, vector<16xi32>,
        %mul3A_285 = arith.constant 16 : i32
        %mul3A_286 = arith.muli %while3A_280, %mul3A_285 : i32
        %add3A_287 = vector.broadcast %mul3A_286 : i32 to vector<16xi32>
        %add3A_288 = arith.addi %iota3A, %add3A_287 : vector<16xi32>
        %lt3A = vector.broadcast %add3A_237 : i32 to vector<16xi32>
        %lt3A_289 = arith.cmpi slt, %add3A_288, %lt3A : vector<16xi32>
        %broadcast_in_dim3A_290 = vector.broadcast %reduce_min3A_244 : i32 to vector<16xi32>
        %select_n3A_291 = arith.select %lt3A_289, %get3A_284, %broadcast_in_dim3A_290 : vector<16xi1>, vector<16xi32>
        %dma_start3A_292 = arith.constant 0 : i32
        %dma_start3A_293 = arith.constant 0 : i32
        %dma_start3A_294 = tpu.memref_slice %arg3[%dma_start3A_292, %dma_start3A_293] : memref<4096x2048xf32, #tpu.memory_space<hbm>> -> memref<4096x2048xf32, #tpu.memory_space<hbm>>
        tpu.enqueue_indirect_dma source(%dma_start3A_294 : memref<4096x2048xf32, #tpu.memory_space<hbm>>) target(%arg8 : memref<16x2048xf32, #tpu.memory_space<vmem>>) offsets(%select_n3A_291 : vector<16xi32>) semaphore(%arg10 : memref<!tpu.dma_semaphore, #tpu.memory_space<semaphore_mem>>)
        %dma_wait3A_295 = arith.constant 0 : i32
        %dma_wait3A_296 = arith.constant 0 : i32
        %dma_wait3A_297 = tpu.memref_slice %arg3[%dma_wait3A_295, %dma_wait3A_296] : memref<4096x2048xf32, #tpu.memory_space<hbm>> -> memref<4096x2048xf32, #tpu.memory_space<hbm>>
        tpu.wait_indirect_dma semaphore(%arg10 : memref<!tpu.dma_semaphore, #tpu.memory_space<semaphore_mem>>) src(%dma_wait3A_297 : memref<4096x2048xf32, #tpu.memory_space<hbm>>) dst(%arg8 : memref<16x2048xf32, #tpu.memory_space<vmem>>)
        %dma_start3A_298 = arith.constant 0 : i32
        %dma_start3A_299 = arith.constant 0 : i32
        %dma_start3A_300 = tpu.memref_slice %arg2[%dma_start3A_298, %dma_start3A_299] : memref<4096x2048xf32, #tpu.memory_space<hbm>> -> memref<4096x2048xf32, #tpu.memory_space<hbm>>
        tpu.enqueue_indirect_dma source(%arg8 : memref<16x2048xf32, #tpu.memory_space<vmem>>) target(%dma_start3A_300 : memref<4096x2048xf32, #tpu.memory_space<hbm>>) offsets(%select_n3A_291 : vector<16xi32>) semaphore(%arg11 : memref<!tpu.dma_semaphore, #tpu.memory_space<semaphore_mem>>)
        %dma_wait3A_301 = arith.constant 0 : i32
        %dma_wait3A_302 = arith.constant 0 : i32
        %dma_wait3A_303 = tpu.memref_slice %arg2[%dma_wait3A_301, %dma_wait3A_302] : memref<4096x2048xf32, #tpu.memory_space<hbm>> -> memref<4096x2048xf32, #tpu.memory_space<hbm>>
        tpu.wait_indirect_dma semaphore(%arg11 : memref<!tpu.dma_semaphore, #tpu.memory_space<semaphore_mem>>) src(%arg8 : memref<16x2048xf32, #tpu.memory_space<vmem>>) dst(%dma_wait3A_303 : memref<4096x2048xf32, #tpu.memory_space<hbm>>)
      }
      %while3A_279 = arith.constant 1 : i32
      scf.for %while3A_280 = %while3A_277 to %while3A_273 step %while3A_279  : i32 {
        %mul3A_281 = arith.constant 16 : i32
        %mul3A_282 = arith.muli %while3A_280, %mul3A_281 : i32
        %get3A_283 = arith.index_cast %mul3A_282 : i32 to index
        %get3A_284 = tpu.vector_load %arg7[%get3A_283] {strides = array<i32>} : memref<128xi32, #tpu.memory_space<vmem>>, vector<16xi32>,
        %mul3A_285 = arith.constant 16 : i32
        %mul3A_286 = arith.muli %while3A_280, %mul3A_285 : i32
        %add3A_287 = vector.broadcast %mul3A_286 : i32 to vector<16xi32>
        %add3A_288 = arith.addi %iota3A, %add3A_287 : vector<16xi32>
        %lt3A = vector.broadcast %add3A_237 : i32 to vector<16xi32>
        %lt3A_289 = arith.cmpi slt, %add3A_288, %lt3A : vector<16xi32>
        %broadcast_in_dim3A_290 = vector.broadcast %reduce_min3A_244 : i32 to vector<16xi32>
        %select_n3A_291 = arith.select %lt3A_289, %get3A_284, %broadcast_in_dim3A_290 : vector<16xi1>, vector<16xi32>
        %dma_start3A_292 = arith.constant 0 : i32
        %dma_start3A_293 = arith.constant 0 : i32
        %dma_start3A_294 = tpu.memref_slice %arg3[%dma_start3A_292, %dma_start3A_293] : memref<4096x2048xf32, #tpu.memory_space<hbm>> -> memref<4096x2048xf32, #tpu.memory_space<hbm>>
        tpu.enqueue_indirect_dma source(%dma_start3A_294 : memref<4096x2048xf32, #tpu.memory_space<hbm>>) target(%arg8 : memref<16x2048xf32, #tpu.memory_space<vmem>>) offsets(%select_n3A_291 : vector<16xi32>) semaphore(%arg10 : memref<!tpu.dma_semaphore, #tpu.memory_space<semaphore_mem>>)
        %dma_wait3A_295 = arith.constant 0 : i32
        %dma_wait3A_296 = arith.constant 0 : i32
        %dma_wait3A_297 = tpu.memref_slice %arg3[%dma_wait3A_295, %dma_wait3A_296] : memref<4096x2048xf32, #tpu.memory_space<hbm>> -> memref<4096x2048xf32, #tpu.memory_space<hbm>>
        tpu.wait_indirect_dma semaphore(%arg10 : memref<!tpu.dma_semaphore, #tpu.memory_space<semaphore_mem>>) src(%dma_wait3A_297 : memref<4096x2048xf32, #tpu.memory_space<hbm>>) dst(%arg8 : memref<16x2048xf32, #tpu.memory_space<vmem>>)
        %dma_start3A_298 = arith.constant 0 : i32
        %dma_start3A_299 = arith.constant 0 : i32
        %dma_start3A_300 = tpu.memref_slice %arg2[%dma_start3A_298, %dma_start3A_299] : memref<4096x2048xf32, #tpu.memory_space<hbm>> -> memref<4096x2048xf32, #tpu.memory_space<hbm>>
        tpu.enqueue_indirect_dma source(%arg8 : memref<16x2048xf32, #tpu.memory_space<vmem>>) target(%dma_start3A_300 : memref<4096x2048xf32, #tpu.memory_space<hbm>>) offsets(%select_n3A_291 : vector<16xi32>) semaphore(%arg11 : memref<!tpu.dma_semaphore, #tpu.memory_space<semaphore_mem>>)
        %dma_wait3A_301 = arith.constant 0 : i32
        %dma_wait3A_302 = arith.constant 0 : i32
        %dma_wait3A_303 = tpu.memref_slice %arg2[%dma_wait3A_301, %dma_wait3A_302] : memref<4096x2048xf32, #tpu.memory_space<hbm>> -> memref<4096x2048xf32, #tpu.memory_space<hbm>>
        tpu.wait_indirect_dma semaphore(%arg11 : memref<!tpu.dma_semaphore, #tpu.memory_space<semaphore_mem>>) src(%arg8 : memref<16x2048xf32, #tpu.memory_space<vmem>>) dst(%dma_wait3A_303 : memref<4096x2048xf32, #tpu.memory_space<hbm>>)
      }
    } else {
    }
    return
  }
}

module attributes {stable_mosaic.version = 14 : i64} {
  func.func @_tc_copy_body(%arg0: i32, %arg1: memref<1024x2048xf32, #tpu.memory_space<vmem>>, %arg2: memref<1x1024xi32, #tpu.memory_space<vmem>>, %arg3: memref<1024x2048xf32, #tpu.memory_space<vmem>>, %arg4: memref<1x1024xi32, #tpu.memory_space<vmem>>) attributes {dimension_semantics = [#tpu.dimension_semantics<arbitrary>], iteration_bounds = array<i64: 4>, scalar_prefetch = 0 : i64, scratch_operands = 0 : i64, tpu.core_type = #tpu.core_type<tc>, window_params = [{transform_indices = @transform_0, window_bounds = array<i64: 1024, 2048>}, {transform_indices = @transform_1, window_bounds = array<i64: 1, 1024>}, {transform_indices = @transform_2, window_bounds = array<i64: 1024, 2048>}, {transform_indices = @transform_3, window_bounds = array<i64: 1, 1024>}]} {
    %get3A = arith.constant 0 : index
    %get3A_0 = arith.constant 0 : index
    %get3A_1 = vector.load %arg1[%get3A, %get3A_0] : memref<1024x2048xf32, #tpu.memory_space<vmem>>, vector<1024x2048xf32>
    %swap3A = arith.constant 0 : index
    %swap3A_2 = arith.constant 0 : index
    %swap3A_3 = vector.load %arg3[%swap3A, %swap3A_2] : memref<1024x2048xf32, #tpu.memory_space<vmem>>, vector<1024x2048xf32>
    tpu.vector_store %arg3[%swap3A, %swap3A_2], %get3A_1 {strides = array<i32>} : memref<1024x2048xf32, #tpu.memory_space<vmem>>, vector<1024x2048xf32>,
    %get3A_4 = arith.constant 0 : index
    %get3A_5 = arith.constant 0 : index
    %get3A_6 = vector.load %arg2[%get3A_4, %get3A_5] : memref<1x1024xi32, #tpu.memory_space<vmem>>, vector<1x1024xi32>
    %get3A_7 = arith.constant dense<0> : vector<1x1024xi32>
    %get3A_8 = arith.cmpi ne, %get3A_6, %get3A_7 : vector<1x1024xi32>
    %convert_element_type3A = arith.extui %get3A_8 : vector<1x1024xi1> to vector<1x1024xi32>
    %swap3A_9 = arith.constant 0 : index
    %swap3A_10 = arith.constant 0 : index
    %swap3A_11 = vector.load %arg4[%swap3A_9, %swap3A_10] : memref<1x1024xi32, #tpu.memory_space<vmem>>, vector<1x1024xi32>
    tpu.vector_store %arg4[%swap3A_9, %swap3A_10], %convert_element_type3A {strides = array<i32>} : memref<1x1024xi32, #tpu.memory_space<vmem>>, vector<1x1024xi32>,
    return
  }
  func.func @transform_0(%arg0: i32) -> (i32, i32) {
    %c0_i32 = arith.constant 0 : i32
    %c0_i32_0 = arith.constant 0 : i32
    return %arg0, %c0_i32 : i32, i32
  }
  func.func @transform_1(%arg0: i32) -> (i32, i32) {
    %c0_i32 = arith.constant 0 : i32
    %c0_i32_0 = arith.constant 0 : i32
    return %c0_i32, %arg0 : i32, i32
  }
  func.func @transform_2(%arg0: i32) -> (i32, i32) {
    %c0_i32 = arith.constant 0 : i32
    %c0_i32_0 = arith.constant 0 : i32
    return %arg0, %c0_i32 : i32, i32
  }
  func.func @transform_3(%arg0: i32) -> (i32, i32) {
    %c0_i32 = arith.constant 0 : i32
    %c0_i32_0 = arith.constant 0 : i32
    return %c0_i32, %arg0 : i32, i32
  }
}

</mosaic_0001>

<sc_bundles>
// kernel: kernel.4.cloned.1.call-start
scs
__scs_entry_jumppad:
0x0: {  	(pc) =	sbr.rel $0x88, $3  }
0x1: {  	(tag) =	ssettag $0x0;
	lr =	simm.s32 $0x1  }
0x2: {  	[smem:$0x3F9E] =	sst lr;
	_ =	strace $0xD0000000  }
0x3: {  	_ = 	snop  }
0x4: {  	_ = 	snop  }
0x5: {  	_ = 	snop  }
0x6: {  	_ = 	snop  }
0x7: {  	_ = 	snop  }
__scs_overlays_trampoline_lowered:
0x8: {  	[smem:$0x3FAD] =	sst s0  }
0x9: {  	[smem:$0x3FAE] =	sst s1  }
0xa: {  	[smem:$0x3FAF] =	sst s2  }
0xb: {  	[smem:$0x3FB0] =	sst s3  }
0xc: {  	[smem:$0x3FB1] =	sst s4  }
0xd: {  	[smem:$0x3FB2] =	sst s5  }
0xe: {  	[smem:$0x3FB3] =	sst s6  }
0xf: {  	[smem:$0x3FB4] =	sst s7  }
0x10: {  	[smem:$0x3FB5] =	sst s8  }
0x11: {  	[smem:$0x3FB6] =	sst s9;
	s0 =	simm.s32 @!p0 $0x0  }
0x12: {  	s1 =	sld [smem:$0x3F9C];
	s0 =	simm.s32 @p0 $0x1  }
0x13: {  	[smem:$0x3FB7] =	sst s0;
	s0 =	simm.s32 @!p1 $0x0  }
0x14: {  	s2 =	sld [smem:$0x3F9B];
	s0 =	simm.s32 @p1 $0x1  }
0x15: {  	[smem:$0x3FB8] =	sst s0;
	s0 =	simm.s32 @!p2 $0x0  }
0x16: {  	s3 =	sld [smem:$0x3FDB];
	s0 =	simm.s32 @p2 $0x1  }
0x17: {  	s4 =	simm.s32 $0x1BF5;
	[smem:$0x3FBA] =	sst s0  }
0x18: {  	s0 =	sld [smem:$0x3F9D];
	_ =	swait.ge [sflag:s4], $0x0  }
0x19: {  	s7 =	sld [smem:$0x3F9E]  }
0x1a: {  	s8 =	sadd.s32 $0xFFFFE003, lr  }
0x1b: {  	s9 =	sadd.s32 $0xFFFFFEF7, lr;
	s5 =	simm.s32 $0xFFFFFFFF;
	p2 =	slt.u32 s8, $0xFFFFF086  }
0x1c: {  	p1 =	slt.u32 s9, $0xF7A;
	s5 =	simm.s32 @!p2 $0x0  }
0x1d: {  	s5 =	simm.s32 @p1 $0x1;
	p0 =	seq.s32 s7, s2  }
0x1e: {  	s7 =	smul.u32 @!p0 $0xF7A, s2;
	p2 =	seq.s32 @!p0 s5, $0x0  }
0x1f: {  	s9 =	smul.u32 $0xF7A, s1;
	s8 =	simm.s32 @!p0 $0x1BF5;
	p2 =	por !p2, p0  }
0x20: {  	[sflag:s8] =	ssyncset.s32 @!p0 $0xFFFFF086;
	s6 =	sadd.s32 @!p0 s3, s7;
	s7 =	simm.s32 @!p0 $0x108  }
0x21: {  	s3 =	sadd.s32 s3, s9;
	s6 =	sadd.s32 @!p0 $0x88, s6;
	s7 =	simm.s32 @p2 $0x1082  }
0x22: {  	[simem:s7], [sflag:s8] =	dma.local @!p0 [hbm:s6], $0xF7A  }
0x23: {  	s9 =	sor.u32 $0xD0000000, s2;
	s6 =	simm.s32 $0x108;
	_ =	swait.ge @!p0 [sflag:s8], $0x0  }
0x24: {  	s3 =	sadd.s32 $0x88, s3;
	s6 =	simm.s32 @!p1 $0x1082;
	[sflag:s4] =	ssyncset.s32 $0xFFFFF086  }
0x25: {  	[simem:s6], [sflag:s4] =	dma.local [hbm:s3], $0xF7A  }
0x26: {  	[smem:$0x3F9E] =	sst s1;
	(tag) =	ssettag s2;
	_ =	strace s9  }
0x27: {  	s1 =	sld [smem:$0x3FAE]  }
0x28: {  	s2 =	sld [smem:$0x3FAF]  }
0x29: {  	s4 =	sld [smem:$0x3FB1]  }
0x2a: {  	p0 =	seq.s32 s5, $0x0;
	s5 =	sld [smem:$0x3FB2]  }
0x2b: {  	s6 =	sld [smem:$0x3FB3]  }
0x2c: {  	s7 =	sld [smem:$0x3FB4]  }
0x2d: {  	s3 =	simm.s32 $0x108;
	s8 =	sld [smem:$0x3FB5]  }
0x2e: {  	s3 =	simm.s32 @!p0 $0x1082;
	s9 =	sld [smem:$0x3FB6]  }
0x2f: {  	lr =	sadd.s32 s0, s3;
	s0 =	sld [smem:$0x3FAD]  }
0x30: {  	s3 =	sld [smem:$0x3FB0]  }
0x31: {  	[smem:$0x3FB9] =	sst s10  }
0x32: {  	s10 =	sld [smem:$0x3FB7];
	_ =	sdelay $0x3  }
0x33: {  	p0 =	seq.s32 s10, $0x1;
	s10 =	sld [smem:$0x3FB9];
	_ =	sdelay $0x3  }
0x34: {  	[smem:$0x3FB9] =	sst s10  }
0x35: {  	s10 =	sld [smem:$0x3FB8];
	_ =	sdelay $0x3  }
0x36: {  	p1 =	seq.s32 s10, $0x1;
	s10 =	sld [smem:$0x3FB9];
	_ =	sdelay $0x3  }
0x37: {  	[smem:$0x3FB9] =	sst s10  }
0x38: {  	s10 =	sld [smem:$0x3FBA]  }
0x39: {  	_ = 	snop;
	(pc) =	sbr.ind lr, $3  }
0x3a: {  	_ = 	snop  }
0x3b: {  	_ = 	snop  }
0x3c: {  	p2 =	seq.s32 s10, $0x1;
	s10 =	sld [smem:$0x3FB9]  }
0x3d: {  	_ =	shalt  }
0x3e: {  	_ =	shalt  }
0x3f: {  	_ =	shalt  }
0x40: {  	_ =	shalt  }
0x41: {  	_ =	shalt  }
0x42: {  	_ =	shalt  }
0x43: {  	_ =	shalt  }
0x44: {  	_ =	shalt  }
0x45: {  	_ =	shalt  }
0x46: {  	_ =	shalt  }
0x47: {  	_ =	shalt  }
0x48: {  	_ =	shalt  }
0x49: {  	_ =	shalt  }
0x4a: {  	_ =	shalt  }
0x4b: {  	_ =	shalt  }
0x4c: {  	_ =	shalt  }
0x4d: {  	_ =	shalt  }
0x4e: {  	_ =	shalt  }
0x4f: {  	_ =	shalt  }
0x50: {  	_ =	shalt  }
0x51: {  	_ =	shalt  }
0x52: {  	_ =	shalt  }
0x53: {  	_ =	shalt  }
0x54: {  	_ =	shalt  }
0x55: {  	_ =	shalt  }
0x56: {  	_ =	shalt  }
0x57: {  	_ =	shalt  }
0x58: {  	_ =	shalt  }
0x59: {  	_ =	shalt  }
0x5a: {  	_ =	shalt  }
0x5b: {  	_ =	shalt  }
0x5c: {  	_ =	shalt  }
0x5d: {  	_ =	shalt  }
0x5e: {  	_ =	shalt  }
0x5f: {  	_ =	shalt  }
0x60: {  	_ =	shalt  }
0x61: {  	_ =	shalt  }
0x62: {  	_ =	shalt  }
0x63: {  	_ =	shalt  }
0x64: {  	_ =	shalt  }
0x65: {  	_ =	shalt  }
0x66: {  	_ =	shalt  }
0x67: {  	_ =	shalt  }
0x68: {  	_ =	shalt  }
0x69: {  	_ =	shalt  }
0x6a: {  	_ =	shalt  }
0x6b: {  	_ =	shalt  }
0x6c: {  	_ =	shalt  }
0x6d: {  	_ =	shalt  }
0x6e: {  	_ =	shalt  }
0x6f: {  	_ =	shalt  }
0x70: {  	_ =	shalt  }
0x71: {  	_ =	shalt  }
0x72: {  	_ =	shalt  }
0x73: {  	_ =	shalt  }
0x74: {  	_ =	shalt  }
0x75: {  	_ =	shalt  }
0x76: {  	_ =	shalt  }
0x77: {  	_ =	shalt  }
0x78: {  	_ =	shalt  }
0x79: {  	_ =	shalt  }
0x7a: {  	_ =	shalt  }
0x7b: {  	_ =	shalt  }
0x7c: {  	_ =	shalt  }
0x7d: {  	_ =	shalt  }
0x7e: {  	_ =	shalt  }
0x7f: {  	_ =	shalt  }
0x80: {  	_ =	shalt  }
0x81: {  	_ =	shalt  }
0x82: {  	_ =	shalt  }
0x83: {  	_ =	shalt  }
0x84: {  	_ =	shalt  }
0x85: {  	_ =	shalt  }
0x86: {  	_ =	shalt  }
0x87: {  	_ =	shalt  }
.Lfunc_end0:
.L_simem_size_0:
called_computation_lowered:
.L_overlay_start_0:
0x88: {  	s2 =	sld [smem:$0x3FD9]  }
0x89: {  	s3 =	sld [smem:$0x3FFE];
	_ =	sdelay $0x1  }
0x8a: {  	s1 =	srdreg.scid  }
0x8b: {  	s0 =	sand.u32 $0x1, s1  }
0x8c: {  	s17 =	sshll.u32 s0, $0xA;
	s2 =	sadd.s32 s3, s2  }
0x8d: {  	s2 =	sadd.s32 s2, s17  }
0x8e: {  	[smem:$0x3FC5] =	sst s2  }
0x8f: {  	_ = 	snop  }
0x90: {  	s2 =	sld [smem:$0x3FC8]  }
0x91: {  	s18 =	sld [smem:$0x3FD0];
	(tm) =	ssettm $0x1  }
0x92: {  	s4 =	sld [smem:$0x3FFB];
	_ =	sdelay $0x3  }
0x93: {  	_ =	strace s4  }
0x94: {  	s4 =	sld [smem:$0x3FFC];
	_ =	sdelay $0x3  }
0x95: {  	_ =	strace s4  }
0x96: {  	s4 =	sld [smem:$0x3FFD];
	_ =	sdelay $0x3  }
0x97: {  	_ =	strace s4  }
0x98: {  	_ =	strace $0x8FFFFFFF  }
0x99: {  	s19 =	sld [smem:$0x3FDB];
	_ =	sdelay $0x1  }
0x9a: {  	s5 =	simm.s32 $_scs_section_size  }
0x9b: {  	s6 =	simm.s32 $_size__tile_overlayer_lowered;
	s7 =	simm.s32 $_tile_overlayer_lowered  }
0x9c: {  	s22 =	simm.s32 $0x1BFF;
	s21 =	sshll.u32 s7, $0x1;
	s4 =	sadd.s32 s5, s19  }
0x9d: {  	s8 =	simm.s32 $0x0;
	s20 =	sshll.u32 s6, $0x1;
	s6 =	sadd.s32 s21, s4  }
0x9e: {  	[timem:s8], [sflag:s22] =	dma.local [hbm:s6], s20  }
0x9f: {  	_ =	swait.ge [sflag:s22], s20  }
0xa0: {  	s5 =	ssub.s32 $0x0, s20;
	[sflag:s22] =	ssyncset.done $0x0  }
0xa1: {  	[sflag:s22] =	ssyncadd.s32 s5;
	_ =	sdelay $0x1  }
0xa2: {  	s23 =	simm.s32 $0x1B8B  }
0xa3: {  	_ =	swait.ge [sflag:s23], $0x1  }
0xa4: {  	[sflag:s23] =	ssyncset.done $0x0  }
0xa5: {  	s25 =	simm.s32 $0x1B8E;
	s24 =	sld [smem:$0x3FFE];
	[sflag:s23] =	ssyncadd.s32 $0xFFFFFFFF  }
0xa6: {  	s26 =	simm.s32 $execute0_lowered;
	[smem:$0x3FD2] =	sst s25  }
0xa7: {  	s6 =	sshll.u32 s26, $0x1;
	_ =	strace $0x80000046;
	[dreg:$0x1] =	wrdreg $0xFFFFFFFF  }
0xa8: {  	s28 =	simm.s32 $_size_execute0_lowered;
	s4 =	sadd.s32 s4, s6;
	[dreg:$0x0] =	wrdreg $0x0  }
0xa9: {  	s6 =	sshll.u32 s28, $0x1;
	[dreg:$0x2] =	wrdreg s4  }
0xaa: {  	[dreg:$0x3] =	wrdreg s6  }
0xab: {  	[dreg:$0x4] =	wrdreg $0xC0  }
0xac: {  	_ =	task [dreg:s8], $0x5FFFF  }
0xad: {  	[dreg:$0x1] =	wrdreg $0xFFFFFFFF  }
0xae: {  	[dreg:$0x0] =	wrdreg $0x60  }
0xaf: {  	[dreg:$0x2] =	wrdreg s18  }
0xb0: {  	[dreg:$0x3] =	wrdreg s2  }
0xb1: {  	[dreg:$0x4] =	wrdreg s24  }
0xb2: {  	[dreg:$0x5] =	wrdreg $0x9  }
0xb3: {  	_ =	task.clear_ibuf [dreg:s8], $0x6FFFF;
	_ =	strace $0x90000046  }
0xb4: {  	s29 =	simm.s32 $0x9;
	_ =	strace $0x80000048  }
0xb5: {  	_ =	swait.ge [sflag:s29], $0x1  }
0xb6: {  	[sflag:s29] =	ssyncadd.s32 $0xFFFFFFFF  }
0xb7: {  	_ =	strace $0x90000048  }
0xb8: {  	_ =	sfence  }
0xb9: {  	s30 =	sld [smem:$0x0];
	_ =	sdelay $0x2  }
0xba: {  	s31 =	sshll.u32 s1, $0xD;
	s1 =	sshrl.u32 s1, $0x2  }
0xbb: {  	s3 =	sand.u32 $0x4000, s31;
	s1 =	sadd.s32 s1, s30  }
0xbc: {  	s0 =	sor.u32 s3, s0;
	s1 =	sshll.u32 s1, $0x11  }
0xbd: {  	s0 =	sor.u32 s1, s0  }
0xbe: {  	s0 =	sadd.s32 $0x8F2B, s0  }
0xbf: {  	[sflag:s0] =	ssyncadd.remote.s32 $0x1  }
0xc0: {  	_ =	sfence.sel $0xFFFF  }
0xc1: {  	[dreg:$0x0] =	wrdreg $0xFFFFFFFF;
	(pc) =	sbr.abs _section_cstart, $3  }
0xc2: {  	[dreg:$0x1] =	wrdreg $0xFFFFFFFF  }
0xc3: {  	_ =	task.clear_ibuf [dreg:s8], $0x2FFFF;
	_ =	strace $0x9FFFFFFF  }
0xc4: {  	(tm) =	ssettm $0x7FFFFFFF  }
0xc5: {  	_ =	shalt  }
tec
execute0_lowered:
.L_overlay_start_1:
0x0: {  	(tag) =	ssettag $0x1  }
0x1: {  	s20 =	rddreg [dreg:$0x0]  }
0x2: {  	s0 =	srdreg.scid;
	s19 =	rddreg [dreg:$0x1]  }
0x3: {  	s2 =	stileid.u32;
	s1 =	rddreg [dreg:$0x2]  }
0x4: {  	s4 =	simm.s32 $0x0;
	s0 =	sand.u32 $0x1, s0;
	s2 =	sshll.u32 s2, $0x8  }
0x5: {  	[smem:$0x7FF] =	sst s4;
	s6 =	sadd.s32 $0x100, s19;
	s7 =	sadd.s32 $0x200, s19  }
0x6: {  	s8 =	sadd.s32 $0x300, s19;
	s9 =	sadd.s32 $0x400, s19;
	s10 =	sadd.s32 $0x500, s19  }
0x7: {  	s11 =	sadd.s32 $0x600, s19;
	_ =	strace $0x80000047;
	[dreg:$0x4] =	wrdreg s6  }
0x8: {  	s12 =	sadd.s32 $0x700, s19;
	s13 =	sadd.s32 $0x100, s20;
	[dreg:$0x5] =	wrdreg s7  }
0x9: {  	s14 =	sadd.s32 $0x200, s20;
	s15 =	sadd.s32 $0x300, s20;
	[dreg:$0x6] =	wrdreg s8  }
0xa: {  	s16 =	sadd.s32 $0x400, s20;
	s18 =	sadd.s32 $0x600, s20;
	[dreg:$0x7] =	wrdreg s9  }
0xb: {  	s3 =	sshll.u32 s0, $0x7;
	s0 =	ssub.s32 $0x2, s0;
	[dreg:$0x8] =	wrdreg s10  }
0xc: {  	[dreg:$0x9] =	wrdreg s11;
	s2 =	sor.u32 s3, s2;
	s29 =	sshrl.u32 s0, $0x1  }
0xd: {  	s3 =	sshrl.u32 s2, $0x3;
	s0 =	ssub.s32 s0, s29;
	s30 =	sor.u32 $0x10, s2  }
.Ltmp0:
0xe: {  	v0 =	vlaneseq.u32;
	v9 =	vimm.s32 $0x0;
	vm0 =	vmmov $0xffff;
	s31 =	sor.u32 $0x20, s2;
	s5 =	sor.u32 $0x30, s2;
	(pc) =	sbr.rel .LBB2_1-.Ltmp0, $4  }
0xf: {  	v10 =	vand.u32 $0x7, v0;
	v11 =	vshrl.u32 v0, $0x3;
	v12 =	vor.u32 $0x8, v0;
	s17 =	sor.u32 $0x40, s2;
	s21 =	sor.u32 $0x50, s2;
	s22 =	sor.u32 $0x60, s2  }
0x10: {  	v11 =	vmul.u32 $0x8, v11;
	s23 =	sor.u32 $0x70, s2;
	v1 =	vor.u32 s2, v0;
	s1 =	sadd.s32 s3, s1;
	s0 =	smax.u32 s0, $0x1;
	v2 =	vor.u32 s30, v0  }
0x11: {  	v3 =	vor.u32 s31, v0;
	v4 =	vor.u32 s5, v0;
	v5 =	vor.u32 s17, v0;
	s1 =	sadd.s32 $0x800, s1;
	[dreg:$0xb] =	wrdreg s0;
	s0 =	sadd.s32 $0x500, s20  }
0x12: {  	v6 =	vor.u32 s21, v0;
	v7 =	vor.u32 s22, v0;
	v8 =	vor.u32 s23, v0;
	s20 =	sadd.s32 $0x700, s20;
	[dreg:$0xa] =	wrdreg s1;
	s1 =	simm.s32 $0x0  }
.LBB2_4:
0x13: {  	s6 =	rddreg [dreg:$0x4]  }
0x14: {  	s7 =	rddreg [dreg:$0x5]  }
0x15: {  	s8 =	rddreg [dreg:$0x6]  }
0x16: {  	s9 =	rddreg [dreg:$0x7]  }
0x17: {  	s10 =	rddreg [dreg:$0x8]  }
0x18: {  	s19 =	smov.u32 s11;
	s11 =	rddreg [dreg:$0x9]  }
0x19: {  	[sflag:s1] =	ssyncadd.s32 $0xFFFF8000;
	s1 =	rddreg [dreg:$0xc]  }
.LBB2_5:
0x1a: {  	s1 =	sadd.s32 $0x1, s1;
	s25 =	rddreg [dreg:$0xb]  }
0x1b: {  	p0 =	sne.s32 s1, s25  }
.Ltmp1:
0x1c: {  	_ = 	snop;
	(pc) =	sbr.rel @!p0 .LBB2_6-.Ltmp1, $1  }
0x1d: {  	_ =	sdelay $0x3  }
.LBB2_1:
0x1e: {  	s25 =	rddreg [dreg:$0xa];
	s2 =	simm.s32 $0x1  }
0x1f: {  	[tilespmem:s4], [sflag:$0x1] =	stream.linear.gather [hbm4b:s25+s4], $0x80, $0x38;
	[tilespmem:$0x8100] =	vst v63  }
0x20: {  	_ =	swait.ge [sflag:s2], $0x80  }
0x21: {  	[sflag:s2] =	ssyncset.done $0x0  }
0x22: {  	[sflag:s2] =	ssyncadd.s32 $0xFFFFFF80  }
0x23: {  	v13 =	vld [tilespmem:$0x0];
	_ =	sdelay $0x4  }
0x24: {  	vm1 =	vne.s32 v13, $0x0  }
0x25: {  	v13 =	vsel vm1, $0x1, v9  }
0x26: {  	(xrf0) =	vadd.scan.msk.s32 $0xffff, v13;
	_ =	sdelay $0x5  }
0x27: {  	v13, _, _ =	vpop (xrf0)  }
0x28: {  	v13 =	vadd.s32 $0xFFFFFFFF, v13;
	_ =	sdelay $0x3  }
0x29: {  	s30 =	simm.s32 $0x80  }
0x2a: {  	[tilespmem:v13+s30+$0x0] =	vst.idx.msk vm1, v1  }
0x2b: {  	v13 =	vld [tilespmem:$0x10];
	_ =	sdelay $0x4  }
0x2c: {  	vm2 =	vne.s32 v13, $0x0  }
0x2d: {  	v13 =	vsel vm2, $0x1, v9  }
0x2e: {  	(xrf0) =	vadd.scan.msk.s32 $0xffff, v13  }
0x2f: {  	v13 =	vmpcnt.ones.xlane vm1;
	_ =	sdelay $0x1  }
0x30: {  	v14 =	vadd.s32 $0xFFFFFFFF, v13  }
0x31: {  	v15 =	vmpcnt.ones.xlane vm2  }
0x32: {  	(v2sf) =	vpush v13, $0x0;
	v13 =	vbroadcast v14, $0x0  }
0x33: {  	(v2sf) =	vpush v15, $0x0;
	v14, _, _ =	vpop (xrf0)  }
0x34: {  	v13 =	vadd.s32 v14, v13;
	_ =	sdelay $0x4  }
0x35: {  	[tilespmem:v13+s30+$0x0] =	vst.idx.msk vm2, v2  }
0x36: {  	v13 =	vld [tilespmem:$0x20];
	_ =	sdelay $0x4  }
0x37: {  	vm3 =	vne.s32 v13, $0x0  }
0x38: {  	v13 =	vsel vm3, $0x1, v9  }
0x39: {  	s3 =	spop (v2sf);
	(xrf0) =	vadd.scan.msk.s32 $0xffff, v13  }
0x3a: {  	s26 =	spop (v2sf)  }
0x3b: {  	s25 =	sadd.s32 s3, s26;
	v14 =	vmpcnt.ones.xlane vm3  }
0x3c: {  	v13 =	vmov s25  }
0x3d: {  	v13 =	vadd.s32 $0xFFFFFFFF, v13  }
0x3e: {  	v13 =	vbroadcast v13, $0x0  }
0x3f: {  	(v2sf) =	vpush v14, $0x0;
	v14, _, _ =	vpop (xrf0)  }
0x40: {  	v13 =	vadd.s32 v14, v13;
	_ =	sdelay $0x4  }
0x41: {  	[tilespmem:v13+s30+$0x0] =	vst.idx.msk vm3, v3  }
0x42: {  	v13 =	vld [tilespmem:$0x30];
	_ =	sdelay $0x4  }
0x43: {  	vm4 =	vne.s32 v13, $0x0  }
0x44: {  	v13 =	vsel vm4, $0x1, v9  }
0x45: {  	(xrf0) =	vadd.scan.msk.s32 $0xffff, v13  }
0x46: {  	s5 =	spop (v2sf)  }
0x47: {  	s25 =	sadd.s32 s25, s5;
	v14 =	vmpcnt.ones.xlane vm4  }
0x48: {  	v13 =	vmov s25  }
0x49: {  	v13 =	vadd.s32 $0xFFFFFFFF, v13  }
0x4a: {  	v13 =	vbroadcast v13, $0x0  }
0x4b: {  	(v2sf) =	vpush v14, $0x0;
	v14, _, _ =	vpop (xrf0)  }
0x4c: {  	v13 =	vadd.s32 v14, v13;
	_ =	sdelay $0x4  }
0x4d: {  	[tilespmem:v13+s30+$0x0] =	vst.idx.msk vm4, v4  }
0x4e: {  	v13 =	vld [tilespmem:$0x40];
	_ =	sdelay $0x4  }
0x4f: {  	vm5 =	vne.s32 v13, $0x0  }
0x50: {  	v13 =	vsel vm5, $0x1, v9  }
0x51: {  	(xrf0) =	vadd.scan.msk.s32 $0xffff, v13  }
0x52: {  	s17 =	spop (v2sf)  }
0x53: {  	s25 =	sadd.s32 s25, s17;
	v14 =	vmpcnt.ones.xlane vm5  }
0x54: {  	v13 =	vmov s25  }
0x55: {  	v13 =	vadd.s32 $0xFFFFFFFF, v13  }
0x56: {  	v13 =	vbroadcast v13, $0x0  }
0x57: {  	(v2sf) =	vpush v14, $0x0;
	v14, _, _ =	vpop (xrf0)  }
0x58: {  	v13 =	vadd.s32 v14, v13;
	_ =	sdelay $0x4  }
0x59: {  	[tilespmem:v13+s30+$0x0] =	vst.idx.msk vm5, v5  }
0x5a: {  	v13 =	vld [tilespmem:$0x50];
	_ =	sdelay $0x4  }
0x5b: {  	vm6 =	vne.s32 v13, $0x0  }
0x5c: {  	v13 =	vsel vm6, $0x1, v9  }
0x5d: {  	(xrf0) =	vadd.scan.msk.s32 $0xffff, v13  }
0x5e: {  	s21 =	spop (v2sf)  }
0x5f: {  	s25 =	sadd.s32 s25, s21;
	v14 =	vmpcnt.ones.xlane vm6  }
0x60: {  	v13 =	vmov s25  }
0x61: {  	v13 =	vadd.s32 $0xFFFFFFFF, v13  }
0x62: {  	v13 =	vbroadcast v13, $0x0  }
0x63: {  	(v2sf) =	vpush v14, $0x0;
	v14, _, _ =	vpop (xrf0)  }
0x64: {  	v13 =	vadd.s32 v14, v13;
	_ =	sdelay $0x4  }
0x65: {  	[tilespmem:v13+s30+$0x0] =	vst.idx.msk vm6, v6  }
0x66: {  	v13 =	vld [tilespmem:$0x60];
	_ =	sdelay $0x4  }
0x67: {  	vm7 =	vne.s32 v13, $0x0  }
0x68: {  	v13 =	vsel vm7, $0x1, v9  }
0x69: {  	(xrf0) =	vadd.scan.msk.s32 $0xffff, v13  }
0x6a: {  	s22 =	spop (v2sf)  }
0x6b: {  	s25 =	sadd.s32 s25, s22  }
0x6c: {  	v13 =	vmov s25  }
0x6d: {  	v13 =	vadd.s32 $0xFFFFFFFF, v13  }
0x6e: {  	v13 =	vbroadcast v13, $0x0  }
0x6f: {  	v14, _, _ =	vpop (xrf0)  }
0x70: {  	v13 =	vadd.s32 v14, v13;
	_ =	sdelay $0x4  }
0x71: {  	[tilespmem:v13+s30+$0x0] =	vst.idx.msk vm7, v7  }
0x72: {  	v13 =	vld [tilespmem:$0x70];
	_ =	sdelay $0x4  }
0x73: {  	v14 =	vmpcnt.ones.xlane vm7;
	vm8 =	vne.s32 v13, $0x0  }
0x74: {  	v13 =	vmpcnt.ones.xlane vm8  }
0x75: {  	(v2sf) =	vpush v14, $0x0  }
0x76: {  	(v2sf) =	vpush v13, $0x0;
	_ =	sdelay $0xd  }
0x77: {  	s23 =	spop (v2sf)  }
0x78: {  	s25 =	sadd.s32 s25, s23;
	s24 =	spop (v2sf)  }
0x79: {  	v13 =	vsel vm8, $0x1, v9;
	s28 =	sadd.s32 s25, s24  }
0x7a: {  	(xrf0) =	vadd.scan.msk.s32 $0xffff, v13;
	v13 =	vmov s25;
	s25 =	sadd.s32 $0xF, s28  }
0x7b: {  	s29 =	sand.u32 $0xF, s25  }
0x7c: {  	s31 =	sshra.s32 s25, $0x1F;
	p1 =	slt.s32 s25, $0x1;
	p0 =	sne.s32 s29, $0x0  }
0x7d: {  	s26 =	sshrl.u32 s31, $0x1C;
	p0 =	por !p1, !p0  }
0x7e: {  	v13 =	vadd.s32 $0xFFFFFFFF, v13;
	s25 =	sadd.s32 s26, s25;
	s26 =	simm.s32 $0x1;
	p0 =	por !p0, !p0  }
0x7f: {  	v13 =	vbroadcast v13, $0x0;
	s25 =	sshra.s32 s25, $0x4;
	s26 =	simm.s32 @!p0 $0x0  }
0x80: {  	v14, _, _ =	vpop (xrf0);
	s2 =	ssub.s32 s25, s26  }
0x81: {  	v13 =	vadd.s32 v14, v13;
	p0 =	slt.s32 s2, $0x1  }
.Ltmp2:
0x82: {  	_ = 	snop;
	(pc) =	sbr.rel @p0 .LBB2_5-.Ltmp2, $2  }
0x83: {  	_ =	sdelay $0x2  }
0x84: {  	[tilespmem:v13+s30+$0x0] =	vst.idx.msk vm8, v8  }
0x85: {  	v13 =	vnsel vm2, $0x7FFFFFFF, v2  }
0x86: {  	v14 =	vmin.u32 v1, v13  }
0x87: {  	v13 =	vsel vm1, v14, v13  }
0x88: {  	v14 =	vmin.u32 v13, v3  }
0x89: {  	v13 =	vsel vm3, v14, v13  }
0x8a: {  	v14 =	vmin.u32 v13, v4  }
0x8b: {  	v13 =	vsel vm4, v14, v13  }
0x8c: {  	v14 =	vmin.u32 v13, v5  }
0x8d: {  	v13 =	vsel vm5, v14, v13  }
0x8e: {  	v14 =	vmin.u32 v13, v6  }
0x8f: {  	v13 =	vsel vm6, v14, v13  }
0x90: {  	vm1 =	vlt.s32 v13, v7  }
0x91: {  	v14 =	vsel vm1, v13, v7  }
0x92: {  	v13 =	vsel vm7, v14, v13  }
0x93: {  	vm1 =	vlt.s32 v13, v8  }
0x94: {  	v14 =	vsel vm1, v13, v8  }
0x95: {  	v13 =	vsel vm8, v14, v13  }
0x96: {  	v13 =	vxor.u32 $0x80000000, v13  }
0x97: {  	(xrf0) =	vmin.scan.msk.u32 $0xffff, v13;
	_ =	sdelay $0x2  }
0x98: {  	s25 =	simm.s32 $0x80  }
0x99: {  	v15 =	vld [tilespmem:s25+$0x0];
	_ =	sdelay $0x1  }
0x9a: {  	s26 =	simm.s32 $0x0;
	v14, _, _ =	vpop (xrf0)  }
0x9b: {  	v16 =	vor.u32 s26, v0;
	v13 =	vmov s28;
	v14 =	vbroadcast v14, $0xF  }
0x9c: {  	vm1 =	vlt.s32 v16, v13  }
0x9d: {  	v15 =	vsel vm1, v15, v14  }
0x9e: {  	v63 =	vshll.u32 v15, $0x4  }
0x9f: {  	v15 =	vand.u32 $0x7, v15;
	v16 =	vand.u32 $0xFFFFFF80, v63  }
0xa0: {  	v15 =	vor.u32 v15, v16  }
0xa1: {  	v16 =	vperm.xlane v15, v10;
	_ =	sdelay $0x1  }
0xa2: {  	v16 =	vadd.s32 v11, v16;
	_ =	sdelay $0x3  }
0xa3: {  	[dreg:$0xc] =	wrdreg s1;
	s1 =	simm.s32 $0x100  }
0xa4: {  	[tilespmem:s1], [sflag:$0x2] =	stream.indirect_vreg.gather [hbm4b:s19+s4], $0x80, v16, vm0, $0xb8;
	[tilespmem:$0x8100] =	vst v63  }
0xa5: {  	s28 =	simm.s32 $0x900  }
0xa6: {  	[tilespmem:s28], [sflag:$0x2] =	stream.indirect_vreg.gather [hbm4b:s6+s4], $0x80, v16, vm0, $0xb8;
	[tilespmem:$0x8100] =	vst v63  }
0xa7: {  	s22 =	simm.s32 $0x1100  }
0xa8: {  	[tilespmem:s22], [sflag:$0x2] =	stream.indirect_vreg.gather [hbm4b:s7+s4], $0x80, v16, vm0, $0xb8;
	[tilespmem:$0x8100] =	vst v63  }
0xa9: {  	s29 =	simm.s32 $0x1900  }
0xaa: {  	[tilespmem:s29], [sflag:$0x2] =	stream.indirect_vreg.gather [hbm4b:s8+s4], $0x80, v16, vm0, $0xb8;
	[tilespmem:$0x8100] =	vst v63  }
0xab: {  	s31 =	simm.s32 $0x2100  }
0xac: {  	[tilespmem:s31], [sflag:$0x2] =	stream.indirect_vreg.gather [hbm4b:s9+s4], $0x80, v16, vm0, $0xb8;
	[tilespmem:$0x8100] =	vst v63  }
0xad: {  	v15 =	vperm.xlane v15, v12;
	s29 =	simm.s32 $0x2900  }
0xae: {  	[tilespmem:s29], [sflag:$0x2] =	stream.indirect_vreg.gather [hbm4b:s10+s4], $0x80, v16, vm0, $0xb8;
	[tilespmem:$0x8100] =	vst v63  }
0xaf: {  	v15 =	vadd.s32 v11, v15;
	s29 =	simm.s32 $0x3100  }
0xb0: {  	[tilespmem:s29], [sflag:$0x2] =	stream.indirect_vreg.gather [hbm4b:s11+s4], $0x80, v16, vm0, $0xb8;
	[tilespmem:$0x8100] =	vst v63  }
0xb1: {  	s24 =	simm.s32 $0x3900  }
0xb2: {  	[tilespmem:s24], [sflag:$0x2] =	stream.indirect_vreg.gather [hbm4b:s12+s4], $0x80, v16, vm0, $0xb8;
	[tilespmem:$0x8100] =	vst v63  }
0xb3: {  	s29 =	simm.s32 $0x4100  }
0xb4: {  	[tilespmem:s29], [sflag:$0x2] =	stream.indirect_vreg.gather [hbm4b:s19+s4], $0x80, v15, vm0, $0xb8;
	[tilespmem:$0x8100] =	vst v63  }
0xb5: {  	s29 =	simm.s32 $0x4900  }
0xb6: {  	[tilespmem:s29], [sflag:$0x2] =	stream.indirect_vreg.gather [hbm4b:s6+s4], $0x80, v15, vm0, $0xb8;
	[tilespmem:$0x8100] =	vst v63  }
0xb7: {  	s6 =	simm.s32 $0x5100  }
0xb8: {  	[tilespmem:s6], [sflag:$0x2] =	stream.indirect_vreg.gather [hbm4b:s7+s4], $0x80, v15, vm0, $0xb8;
	[tilespmem:$0x8100] =	vst v63  }
0xb9: {  	s30 =	simm.s32 $0x5900  }
0xba: {  	[tilespmem:s30], [sflag:$0x2] =	stream.indirect_vreg.gather [hbm4b:s8+s4], $0x80, v15, vm0, $0xb8;
	[tilespmem:$0x8100] =	vst v63  }
0xbb: {  	s5 =	simm.s32 $0x6100  }
0xbc: {  	[tilespmem:s5], [sflag:$0x2] =	stream.indirect_vreg.gather [hbm4b:s9+s4], $0x80, v15, vm0, $0xb8;
	[tilespmem:$0x8100] =	vst v63  }
0xbd: {  	s17 =	simm.s32 $0x6900  }
0xbe: {  	[tilespmem:s17], [sflag:$0x2] =	stream.indirect_vreg.gather [hbm4b:s10+s4], $0x80, v15, vm0, $0xb8;
	[tilespmem:$0x8100] =	vst v63  }
0xbf: {  	s3 =	simm.s32 $0x7100  }
0xc0: {  	[tilespmem:s3], [sflag:$0x2] =	stream.indirect_vreg.gather [hbm4b:s11+s4], $0x80, v15, vm0, $0xb8;
	[tilespmem:$0x8100] =	vst v63  }
0xc1: {  	s21 =	simm.s32 $0x2;
	s23 =	simm.s32 $0x7900  }
0xc2: {  	[tilespmem:s23], [sflag:$0x2] =	stream.indirect_vreg.gather [hbm4b:s12+s4], $0x80, v15, vm0, $0xb8;
	[tilespmem:$0x8100] =	vst v63  }
0xc3: {  	_ =	swait.ge [sflag:s21], $0x8000  }
0xc4: {  	[sflag:s21] =	ssyncset.done $0x0  }
0xc5: {  	[sflag:s21] =	ssyncadd.s32 $0xFFFF8000  }
0xc6: {  	s10 =	rddreg [dreg:$0x0]  }
0xc7: {  	[hbm4b:s10+s4] =	stream.indirect_vreg.scatter [tilespmem:s1], [sflag:$0x3], $0x80, v16, vm0, $0xb8;
	[tilespmem:$0x8100] =	vst v63  }
0xc8: {  	_ = 	snop  }
0xc9: {  	[hbm4b:s13+s4] =	stream.indirect_vreg.scatter [tilespmem:s28], [sflag:$0x3], $0x80, v16, vm0, $0xb8;
	[tilespmem:$0x8100] =	vst v63  }
0xca: {  	_ = 	snop  }
0xcb: {  	[hbm4b:s14+s4] =	stream.indirect_vreg.scatter [tilespmem:s22], [sflag:$0x3], $0x80, v16, vm0, $0xb8;
	[tilespmem:$0x8100] =	vst v63  }
0xcc: {  	s11 =	smov.u32 s19;
	s19 =	simm.s32 $0x1900  }
0xcd: {  	[hbm4b:s15+s4] =	stream.indirect_vreg.scatter [tilespmem:s19], [sflag:$0x3], $0x80, v16, vm0, $0xb8;
	[tilespmem:$0x8100] =	vst v63  }
0xce: {  	_ = 	snop  }
0xcf: {  	[hbm4b:s16+s4] =	stream.indirect_vreg.scatter [tilespmem:s31], [sflag:$0x3], $0x80, v16, vm0, $0xb8;
	[tilespmem:$0x8100] =	vst v63  }
0xd0: {  	s21 =	simm.s32 $0x2900  }
0xd1: {  	[hbm4b:s0+s4] =	stream.indirect_vreg.scatter [tilespmem:s21], [sflag:$0x3], $0x80, v16, vm0, $0xb8;
	[tilespmem:$0x8100] =	vst v63  }
0xd2: {  	s22 =	simm.s32 $0x3100  }
0xd3: {  	[hbm4b:s18+s4] =	stream.indirect_vreg.scatter [tilespmem:s22], [sflag:$0x3], $0x80, v16, vm0, $0xb8;
	[tilespmem:$0x8100] =	vst v63  }
0xd4: {  	_ = 	snop  }
0xd5: {  	[hbm4b:s20+s4] =	stream.indirect_vreg.scatter [tilespmem:s24], [sflag:$0x3], $0x80, v16, vm0, $0xb8;
	[tilespmem:$0x8100] =	vst v63  }
0xd6: {  	s24 =	simm.s32 $0x4100  }
0xd7: {  	[hbm4b:s10+s4] =	stream.indirect_vreg.scatter [tilespmem:s24], [sflag:$0x3], $0x80, v15, vm0, $0xb8;
	[tilespmem:$0x8100] =	vst v63  }
0xd8: {  	s29 =	simm.s32 $0x4900  }
0xd9: {  	[hbm4b:s13+s4] =	stream.indirect_vreg.scatter [tilespmem:s29], [sflag:$0x3], $0x80, v15, vm0, $0xb8;
	[tilespmem:$0x8100] =	vst v63  }
0xda: {  	_ = 	snop  }
0xdb: {  	[hbm4b:s14+s4] =	stream.indirect_vreg.scatter [tilespmem:s6], [sflag:$0x3], $0x80, v15, vm0, $0xb8;
	[tilespmem:$0x8100] =	vst v63  }
0xdc: {  	_ = 	snop  }
0xdd: {  	[hbm4b:s15+s4] =	stream.indirect_vreg.scatter [tilespmem:s30], [sflag:$0x3], $0x80, v15, vm0, $0xb8;
	[tilespmem:$0x8100] =	vst v63  }
0xde: {  	_ = 	snop  }
0xdf: {  	[hbm4b:s16+s4] =	stream.indirect_vreg.scatter [tilespmem:s5], [sflag:$0x3], $0x80, v15, vm0, $0xb8;
	[tilespmem:$0x8100] =	vst v63  }
0xe0: {  	_ = 	snop  }
0xe1: {  	[hbm4b:s0+s4] =	stream.indirect_vreg.scatter [tilespmem:s17], [sflag:$0x3], $0x80, v15, vm0, $0xb8;
	[tilespmem:$0x8100] =	vst v63  }
0xe2: {  	p0 =	sne.s32 s2, $0x1  }
0xe3: {  	[hbm4b:s18+s4] =	stream.indirect_vreg.scatter [tilespmem:s3], [sflag:$0x3], $0x80, v15, vm0, $0xb8;
	[tilespmem:$0x8100] =	vst v63  }
.Ltmp3:
0xe4: {  	_ = 	snop;
	(pc) =	sbr.rel @!p0 .LBB2_4-.Ltmp3, $4  }
0xe5: {  	s31 =	simm.s32 $0x3  }
0xe6: {  	[hbm4b:s20+s4] =	stream.indirect_vreg.scatter [tilespmem:s23], [sflag:$0x3], $0x80, v15, vm0, $0xb8;
	[tilespmem:$0x8100] =	vst v63  }
0xe7: {  	_ =	swait.ge [sflag:s31], $0x8000  }
0xe8: {  	s1 =	simm.s32 $0x3;
	s28 =	sadd.s32 $0xFFFFFFFF, s2;
	[sflag:s31] =	ssyncset.done $0x0  }
.LBB2_3:
0xe9: {  	s21 =	simm.s32 $0x3  }
0xea: {  	s25 =	sadd.s32 $0x10, s25;
	[sflag:s21] =	ssyncadd.s32 $0xFFFF8000  }
0xeb: {  	v15 =	vld [tilespmem:s25+$0x0];
	_ =	sdelay $0x1  }
0xec: {  	s26 =	sadd.s32 $0x10, s26  }
0xed: {  	v16 =	vor.u32 s26, v0  }
0xee: {  	vm1 =	vlt.s32 v16, v13  }
0xef: {  	v15 =	vsel vm1, v15, v14  }
0xf0: {  	v63 =	vshll.u32 v15, $0x4  }
0xf1: {  	v15 =	vand.u32 $0x7, v15;
	v16 =	vand.u32 $0xFFFFFF80, v63  }
0xf2: {  	v15 =	vor.u32 v15, v16  }
0xf3: {  	v16 =	vperm.xlane v15, v10;
	_ =	sdelay $0x1  }
0xf4: {  	v16 =	vadd.s32 v11, v16;
	_ =	sdelay $0x3  }
0xf5: {  	s19 =	simm.s32 $0x100  }
0xf6: {  	[tilespmem:s19], [sflag:$0x2] =	stream.indirect_vreg.gather [hbm4b:s11+s4], $0x80, v16, vm0, $0xb8;
	[tilespmem:$0x8100] =	vst v63  }
0xf7: {  	s1 =	simm.s32 $0x900;
	s22 =	rddreg [dreg:$0x4]  }
0xf8: {  	[tilespmem:s1], [sflag:$0x2] =	stream.indirect_vreg.gather [hbm4b:s22+s4], $0x80, v16, vm0, $0xb8;
	[tilespmem:$0x8100] =	vst v63  }
0xf9: {  	s29 =	simm.s32 $0x1100;
	s6 =	rddreg [dreg:$0x5]  }
0xfa: {  	[tilespmem:s29], [sflag:$0x2] =	stream.indirect_vreg.gather [hbm4b:s6+s4], $0x80, v16, vm0, $0xb8;
	[tilespmem:$0x8100] =	vst v63  }
0xfb: {  	s3 =	simm.s32 $0x1900;
	s7 =	rddreg [dreg:$0x6]  }
0xfc: {  	[tilespmem:s3], [sflag:$0x2] =	stream.indirect_vreg.gather [hbm4b:s7+s4], $0x80, v16, vm0, $0xb8;
	[tilespmem:$0x8100] =	vst v63  }
0xfd: {  	s23 =	simm.s32 $0x2100;
	s8 =	rddreg [dreg:$0x7]  }
0xfe: {  	[tilespmem:s23], [sflag:$0x2] =	stream.indirect_vreg.gather [hbm4b:s8+s4], $0x80, v16, vm0, $0xb8;
	[tilespmem:$0x8100] =	vst v63  }
0xff: {  	s24 =	simm.s32 $0x2900;
	s9 =	rddreg [dreg:$0x8];
	v15 =	vperm.xlane v15, v12  }
0x100: {  	[tilespmem:s24], [sflag:$0x2] =	stream.indirect_vreg.gather [hbm4b:s9+s4], $0x80, v16, vm0, $0xb8;
	[tilespmem:$0x8100] =	vst v63  }
0x101: {  	s2 =	simm.s32 $0x3100;
	s30 =	rddreg [dreg:$0x9];
	v15 =	vadd.s32 v11, v15  }
0x102: {  	[tilespmem:s2], [sflag:$0x2] =	stream.indirect_vreg.gather [hbm4b:s30+s4], $0x80, v16, vm0, $0xb8;
	[tilespmem:$0x8100] =	vst v63  }
0x103: {  	s5 =	simm.s32 $0x3900  }
0x104: {  	[tilespmem:s5], [sflag:$0x2] =	stream.indirect_vreg.gather [hbm4b:s12+s4], $0x80, v16, vm0, $0xb8;
	[tilespmem:$0x8100] =	vst v63  }
0x105: {  	s31 =	simm.s32 $0x4100  }
0x106: {  	[tilespmem:s31], [sflag:$0x2] =	stream.indirect_vreg.gather [hbm4b:s11+s4], $0x80, v15, vm0, $0xb8;
	[tilespmem:$0x8100] =	vst v63  }
0x107: {  	s17 =	simm.s32 $0x4900  }
0x108: {  	[tilespmem:s17], [sflag:$0x2] =	stream.indirect_vreg.gather [hbm4b:s22+s4], $0x80, v15, vm0, $0xb8;
	[tilespmem:$0x8100] =	vst v63  }
0x109: {  	s22 =	simm.s32 $0x5100  }
0x10a: {  	[tilespmem:s22], [sflag:$0x2] =	stream.indirect_vreg.gather [hbm4b:s6+s4], $0x80, v15, vm0, $0xb8;
	[tilespmem:$0x8100] =	vst v63  }
0x10b: {  	s6 =	simm.s32 $0x5900  }
0x10c: {  	[tilespmem:s6], [sflag:$0x2] =	stream.indirect_vreg.gather [hbm4b:s7+s4], $0x80, v15, vm0, $0xb8;
	[tilespmem:$0x8100] =	vst v63  }
0x10d: {  	s7 =	simm.s32 $0x6100  }
0x10e: {  	[tilespmem:s7], [sflag:$0x2] =	stream.indirect_vreg.gather [hbm4b:s8+s4], $0x80, v15, vm0, $0xb8;
	[tilespmem:$0x8100] =	vst v63  }
0x10f: {  	s8 =	simm.s32 $0x6900  }
0x110: {  	[tilespmem:s8], [sflag:$0x2] =	stream.indirect_vreg.gather [hbm4b:s9+s4], $0x80, v15, vm0, $0xb8;
	[tilespmem:$0x8100] =	vst v63  }
0x111: {  	s10 =	simm.s32 $0x7100  }
0x112: {  	[tilespmem:s10], [sflag:$0x2] =	stream.indirect_vreg.gather [hbm4b:s30+s4], $0x80, v15, vm0, $0xb8;
	[tilespmem:$0x8100] =	vst v63  }
0x113: {  	s9 =	simm.s32 $0x7900;
	s30 =	simm.s32 $0x2  }
0x114: {  	[tilespmem:s9], [sflag:$0x2] =	stream.indirect_vreg.gather [hbm4b:s12+s4], $0x80, v15, vm0, $0xb8;
	[tilespmem:$0x8100] =	vst v63  }
0x115: {  	_ =	swait.ge [sflag:s30], $0x8000  }
0x116: {  	[sflag:s30] =	ssyncset.done $0x0  }
0x117: {  	[sflag:s30] =	ssyncadd.s32 $0xFFFF8000  }
0x118: {  	s30 =	rddreg [dreg:$0x0]  }
0x119: {  	[hbm4b:s30+s4] =	stream.indirect_vreg.scatter [tilespmem:s19], [sflag:$0x3], $0x80, v16, vm0, $0xb8;
	[tilespmem:$0x8100] =	vst v63  }
0x11a: {  	_ = 	snop  }
0x11b: {  	[hbm4b:s13+s4] =	stream.indirect_vreg.scatter [tilespmem:s1], [sflag:$0x3], $0x80, v16, vm0, $0xb8;
	[tilespmem:$0x8100] =	vst v63  }
0x11c: {  	_ = 	snop  }
0x11d: {  	[hbm4b:s14+s4] =	stream.indirect_vreg.scatter [tilespmem:s29], [sflag:$0x3], $0x80, v16, vm0, $0xb8;
	[tilespmem:$0x8100] =	vst v63  }
0x11e: {  	_ = 	snop  }
0x11f: {  	[hbm4b:s15+s4] =	stream.indirect_vreg.scatter [tilespmem:s3], [sflag:$0x3], $0x80, v16, vm0, $0xb8;
	[tilespmem:$0x8100] =	vst v63  }
0x120: {  	_ = 	snop  }
0x121: {  	[hbm4b:s16+s4] =	stream.indirect_vreg.scatter [tilespmem:s23], [sflag:$0x3], $0x80, v16, vm0, $0xb8;
	[tilespmem:$0x8100] =	vst v63  }
0x122: {  	_ = 	snop  }
0x123: {  	[hbm4b:s0+s4] =	stream.indirect_vreg.scatter [tilespmem:s24], [sflag:$0x3], $0x80, v16, vm0, $0xb8;
	[tilespmem:$0x8100] =	vst v63  }
0x124: {  	_ = 	snop  }
0x125: {  	[hbm4b:s18+s4] =	stream.indirect_vreg.scatter [tilespmem:s2], [sflag:$0x3], $0x80, v16, vm0, $0xb8;
	[tilespmem:$0x8100] =	vst v63  }
0x126: {  	_ = 	snop  }
0x127: {  	[hbm4b:s20+s4] =	stream.indirect_vreg.scatter [tilespmem:s5], [sflag:$0x3], $0x80, v16, vm0, $0xb8;
	[tilespmem:$0x8100] =	vst v63  }
0x128: {  	_ = 	snop  }
0x129: {  	[hbm4b:s30+s4] =	stream.indirect_vreg.scatter [tilespmem:s31], [sflag:$0x3], $0x80, v15, vm0, $0xb8;
	[tilespmem:$0x8100] =	vst v63  }
0x12a: {  	_ = 	snop  }
0x12b: {  	[hbm4b:s13+s4] =	stream.indirect_vreg.scatter [tilespmem:s17], [sflag:$0x3], $0x80, v15, vm0, $0xb8;
	[tilespmem:$0x8100] =	vst v63  }
0x12c: {  	_ = 	snop  }
0x12d: {  	[hbm4b:s14+s4] =	stream.indirect_vreg.scatter [tilespmem:s22], [sflag:$0x3], $0x80, v15, vm0, $0xb8;
	[tilespmem:$0x8100] =	vst v63  }
0x12e: {  	_ = 	snop  }
0x12f: {  	[hbm4b:s15+s4] =	stream.indirect_vreg.scatter [tilespmem:s6], [sflag:$0x3], $0x80, v15, vm0, $0xb8;
	[tilespmem:$0x8100] =	vst v63  }
0x130: {  	_ = 	snop  }
0x131: {  	[hbm4b:s16+s4] =	stream.indirect_vreg.scatter [tilespmem:s7], [sflag:$0x3], $0x80, v15, vm0, $0xb8;
	[tilespmem:$0x8100] =	vst v63  }
0x132: {  	_ = 	snop  }
0x133: {  	[hbm4b:s0+s4] =	stream.indirect_vreg.scatter [tilespmem:s8], [sflag:$0x3], $0x80, v15, vm0, $0xb8;
	[tilespmem:$0x8100] =	vst v63  }
0x134: {  	p0 =	sne.s32 s28, $0x1  }
0x135: {  	[hbm4b:s18+s4] =	stream.indirect_vreg.scatter [tilespmem:s10], [sflag:$0x3], $0x80, v15, vm0, $0xb8;
	[tilespmem:$0x8100] =	vst v63  }
.Ltmp4:
0x136: {  	_ = 	snop;
	(pc) =	sbr.rel @p0 .LBB2_3-.Ltmp4, $4  }
0x137: {  	_ = 	snop  }
0x138: {  	[hbm4b:s20+s4] =	stream.indirect_vreg.scatter [tilespmem:s9], [sflag:$0x3], $0x80, v15, vm0, $0xb8;
	[tilespmem:$0x8100] =	vst v63  }
0x139: {  	_ =	swait.ge [sflag:s21], $0x8000  }
0x13a: {  	s28 =	sadd.s32 $0xFFFFFFFF, s28;
	s1 =	simm.s32 $0x3;
	[sflag:s21] =	ssyncset.done $0x0  }
.Ltmp5:
0x13b: {  	_ = 	snop;
	(pc) =	sbr.rel .LBB2_4-.Ltmp5, $1  }
0x13c: {  	_ =	sdelay $0x3  }
.LBB2_6:
0x13d: {  	_ =	sfence.sel $0x180000  }
0x13e: {  	[bflag:$0x0] =	sbarrier.arrive $0xFFFF  }
0x13f: {  	_ =	strace $0x90000047  }
0x140: {  	s0 =	stileid.u32;
	[bflag:$0x2] =	sbarrier.arrive $0xFFFF  }
0x141: {  	p0 =	sne.s32 s0, $0x0;
	s0 =	rddreg [dreg:$0x3]  }
0x142: {  	s0 =	sadd.s32 @!p0 $0x100000, s0  }
0x143: {  	[sflag:s0] =	ssyncadd.tile.s32 @!p0 $0x1;
	_ =	shalt  }
.Lfunc_end2:
_tile_overlayer_lowered:
.L_overlay_start_2:
0x144: {  	(tag) =	ssettag $0x2  }
0x145: {  	s0 =	rddreg [dreg:$0x0];
	s2 =	stileid.u32  }
0x146: {  	s1 =	rddreg [dreg:$0x1];
	p0 =	sne.s32 s2, $0x0  }
0x147: {  	s3 =	rddreg [dreg:$0x2];
	[bflag:$0x3] =	sbarrier.arrive $0xFFFF;
	s2 =	simm.s32 @!p0 $0x1C04  }
0x148: {  	[timem:s3], [sflag:s2] =	dma.local @!p0 [hbm:s0], s1  }
0x149: {  	s0 =	simm.s32 @!p0 $0x4  }
0x14a: {  	_ =	swait.ge @!p0 [sflag:s0], s1  }
0x14b: {  	s1 =	ssub.s32 @!p0 $0x0, s1;
	[sflag:s0] =	ssyncset.done @!p0 $0x0  }
0x14c: {  	[sflag:s0] =	ssyncadd.s32 @!p0 s1  }
0x14d: {  	[bflag:$0x3] =	sbarrier.arrive $0xFFFF  }
0x14e: {  	_ =	shalt  }

</sc_bundles>
